<compile_context>
chip_gen: v7x
topology: tpu7x:2x2x1
jax: 0.10.2.dev20260603
libtpu: 0.0.44.dev20260713+nightly
codegen_flags: <defaults>
</compile_context>

<pallas_src>
import functools

import jax
import jax.numpy as jnp
from jax import lax
from jax.experimental import pallas as pl
from jax.experimental.pallas import tpu as pltpu
from jax.experimental.pallas import tpu_sc as plsc

N = 10000
E = 320000
D = 128
BN_EPS = 1e-5

NC = 2
NS = 16
NW = NC * NS
EPW = E // NW
CH = 80
NCHUNK = EPW // CH
BLKC = 25
NBLK = NCHUNK // BLKC
N_PAD = 10240
ROWS_PT = N_PAD // NS

def _aggregate_body(feat_hbm, ei_hbm, out_hbm,
                    src_v, dst_v, rows_a, rows_b, acc_sh,
                    sem_i, sem_a, sem_b, sem_z):
    c = lax.axis_index("c")
    s = lax.axis_index("s")
    wid = s * NC + c

    cp_src = pltpu.async_copy(ei_hbm.at[0, wid, 0], src_v.at[0], sem_i)
    cp_dst = pltpu.async_copy(ei_hbm.at[1, wid, 0], dst_v.at[0], sem_i)

    zeros16 = jnp.zeros((16,), jnp.float32)

    def _zrow(r, carry):
        for j in range(D // 16):
            rows_a[r, pl.ds(j * 16, 16)] = zeros16
        return carry

    lax.fori_loop(0, CH, _zrow, 0)

    def _zfire(i, carry):
        pltpu.async_copy(rows_a, acc_sh.at[pl.ds(s * ROWS_PT + i * CH, CH)],
                         sem_z)
        return carry

    lax.fori_loop(0, ROWS_PT // CH, _zfire, 0)

    def _zdrain(i, carry):
        pltpu.make_async_copy(
            rows_a, acc_sh.at[pl.ds(s * ROWS_PT + i * CH, CH)], sem_z).wait()
        return carry

    lax.fori_loop(0, ROWS_PT // CH, _zdrain, 0)
    cp_src.wait()
    cp_dst.wait()
    plsc.subcore_barrier()

    def _block(b, carry):
        p = lax.rem(b, 2)

        @pl.when(b < NBLK - 1)
        def _prefetch():
            pltpu.async_copy(ei_hbm.at[0, wid, b + 1], src_v.at[1 - p], sem_i)
            pltpu.async_copy(ei_hbm.at[1, wid, b + 1], dst_v.at[1 - p], sem_i)

        pltpu.async_copy(feat_hbm.at[src_v.at[p, 0]], rows_a, sem_a)

        def _pair(g, cc):
            i = 2 * g
            pltpu.async_copy(feat_hbm.at[src_v.at[p, i + 1]], rows_b, sem_b)
            pltpu.make_async_copy(feat_hbm.at[src_v.at[p, i]], rows_a,
                                  sem_a).wait()
            pltpu.sync_copy(rows_a, acc_sh.at[dst_v.at[p, i]], add=True)
            pltpu.async_copy(feat_hbm.at[src_v.at[p, i + 2]], rows_a, sem_a)
            pltpu.make_async_copy(feat_hbm.at[src_v.at[p, i + 1]], rows_b,
                                  sem_b).wait()
            pltpu.sync_copy(rows_b, acc_sh.at[dst_v.at[p, i + 1]], add=True)
            return cc

        lax.fori_loop(0, (BLKC - 1) // 2, _pair, 0)
        pltpu.make_async_copy(feat_hbm.at[src_v.at[p, BLKC - 1]], rows_a,
                              sem_a).wait()
        pltpu.sync_copy(rows_a, acc_sh.at[dst_v.at[p, BLKC - 1]], add=True)

        @pl.when(b < NBLK - 1)
        def _wait_prefetch():
            pltpu.make_async_copy(ei_hbm.at[0, wid, b + 1], src_v.at[1 - p],
                                  sem_i).wait()
            pltpu.make_async_copy(ei_hbm.at[1, wid, b + 1], dst_v.at[1 - p],
                                  sem_i).wait()

        return carry

    lax.fori_loop(0, NBLK, _block, 0)
    plsc.subcore_barrier()

    pltpu.sync_copy(acc_sh.at[pl.ds(s * ROWS_PT, ROWS_PT)],
                    out_hbm.at[c, pl.ds(s * ROWS_PT, ROWS_PT)])


@functools.cache
def _make_aggregate():
    mesh = plsc.VectorSubcoreMesh(core_axis_name="c", subcore_axis_name="s",
                                  num_cores=NC, num_subcores=NS)
    return pl.kernel(
        _aggregate_body,
        out_type=jax.ShapeDtypeStruct((NC, N_PAD, D), jnp.float32),
        mesh=mesh,
        scratch_types=[
            pltpu.VMEM((2, BLKC, CH), jnp.int32),
            pltpu.VMEM((2, BLKC, CH), jnp.int32),
            pltpu.VMEM((CH, D), jnp.float32),
            pltpu.VMEM((CH, D), jnp.float32),
            pltpu.VMEM_SHARED((N_PAD, D), jnp.float32),
            pltpu.SemaphoreType.DMA,
            pltpu.SemaphoreType.DMA,
            pltpu.SemaphoreType.DMA,
            pltpu.SemaphoreType.DMA,
        ],
    )


def _mlp_body(feat_ref, parts_ref, eps_ref, w1_ref, b1_ref, gamma_ref,
              beta_ref, w2_ref, b2_ref, out_ref):
    out_h = parts_ref[0, :N] + parts_ref[1, :N]
    h = (1.0 + eps_ref[0, 0]) * feat_ref[...] + out_h
    a = jnp.dot(h, w1_ref[...], preferred_element_type=jnp.float32) \
        + b1_ref[...]
    mean = jnp.mean(a, axis=0, keepdims=True)
    var = jnp.mean(jnp.square(a - mean), axis=0, keepdims=True)
    a = (a - mean) * lax.rsqrt(var + BN_EPS) * gamma_ref[...] + beta_ref[...]
    a = jnp.maximum(a, 0.0)
    out_ref[...] = jnp.dot(a, w2_ref[...],
                           preferred_element_type=jnp.float32) + b2_ref[...]


_mlp = pl.pallas_call(
    _mlp_body,
    out_shape=jax.ShapeDtypeStruct((N, D), jnp.float32),
)


def kernel(feature, edge_index, eps, W1, b1, gamma, beta, W2, b2):
    ei = edge_index.reshape(2, NW, NBLK, BLKC, CH)
    parts = _make_aggregate()(feature, ei)
    eps2 = jnp.reshape(eps, (1, 1)).astype(jnp.float32)
    return _mlp(feature, parts, eps2, W1,
                b1.reshape(1, 2 * D), gamma.reshape(1, 2 * D),
                beta.reshape(1, 2 * D), W2, b2.reshape(1, D))

# --- scband reference (transcript-rebuilt; emitter-appended) ---
"""Pipeline reference for scband-ginlayer-39195871543377 (READ-ONLY COPY).

The authoritative reference and input builder live on the scoring server;
editing this copy changes nothing except your own understanding.
"""

import jax, jax.numpy as jnp
import numpy as np

N, E, D = 10000, 320000, 128
BN_EPS = 1e-5

def setup_inputs(seed: int = 0):
    key = jax.random.key(seed)
    ks = jax.random.split(key, 8)
    x = jax.random.normal(ks[0], (N, D), dtype=jnp.float32)
    edge_index = jax.random.randint(ks[1], (2, E), 0, N, dtype=jnp.int32)
    # GINLayer params: eps (learned scalar, init 0) and MLPLayers(2, [D, 2D, D], batch_norm=True)
    eps = jnp.zeros((), dtype=jnp.float32)
    W1 = jax.random.normal(ks[2], (D, 2 * D), dtype=jnp.float32) * 0.05
    b1 = jnp.zeros((2 * D,), dtype=jnp.float32)
    gamma = jnp.ones((2 * D,), dtype=jnp.float32)
    beta = jnp.zeros((2 * D,), dtype=jnp.float32)
    W2 = jax.random.normal(ks[3], (2 * D, D), dtype=jnp.float32) * 0.05
    b2 = jnp.zeros((D,), dtype=jnp.float32)
    return {"feature": x, "edge_index": edge_index, "eps": eps, "W1": W1, "b1": b1,
            "gamma": gamma, "beta": beta, "W2": W2, "b2": b2}

def reference(feature, edge_index, eps, W1, b1, gamma, beta, W2, b2):
    src = edge_index[0]
    dst = edge_index[1]
    # update_all(copy_u('h','msg'), sum('msg','out_h')): gather src feats, scatter-sum to dst
    msg = jnp.take(feature, src, axis=0)
    out_h = jax.ops.segment_sum(msg, dst, num_segments=feature.shape[0])
    h = (1.0 + eps) * feature + out_h
    # MLP layer 1: Linear -> BatchNorm (batch stats) -> ReLU
    h = h @ W1 + b1
    mean = jnp.mean(h, axis=0)
    var = jnp.var(h, axis=0)
    h = (h - mean) / jnp.sqrt(var + BN_EPS) * gamma + beta
    h = jax.nn.relu(h)
    # MLP layer 2: Linear
    out = h @ W2 + b2
    return out

if __name__ == "__main__":
    import jax
    _d = setup_inputs()
    print(jax.jit(kernel)(*tuple(_d.values())))

</pallas_src>

<mosaic_0001>
#map = affine_map<(d0, d1) -> (0, 0)>
#map1 = affine_map<(d0, d1) -> (0, 0, 0, 0, 0)>
#map2 = affine_map<(d0, d1) -> (0, 0, 0)>
module attributes {stable_mosaic.version = 14 : i64} {
  func.func @_aggregate_body(%arg0: i32, %arg1: i32, %arg2: memref<10000x128xf32, #tpu.memory_space<hbm>>, %arg3: memref<2x32x5x25x80xi32, #tpu.memory_space<hbm>>, %arg4: memref<2x10240x128xf32, #tpu.memory_space<hbm>>, %arg5: memref<2x25x80xi32, #tpu.memory_space<vmem>>, %arg6: memref<2x25x80xi32, #tpu.memory_space<vmem>>, %arg7: memref<80x128xf32, #tpu.memory_space<vmem>>, %arg8: memref<80x128xf32, #tpu.memory_space<vmem>>, %arg9: memref<10240x128xf32, #tpu.memory_space<vmem_shared>>, %arg10: memref<!tpu.dma_semaphore, #tpu.memory_space<semaphore_mem>>, %arg11: memref<!tpu.dma_semaphore, #tpu.memory_space<semaphore_mem>>, %arg12: memref<!tpu.dma_semaphore, #tpu.memory_space<semaphore_mem>>, %arg13: memref<!tpu.dma_semaphore, #tpu.memory_space<semaphore_mem>>) attributes {dimension_semantics = [#tpu.dimension_semantics<core_parallel>, #tpu.dimension_semantics<subcore_parallel>], iteration_bounds = array<i64: 2, 16>, scalar_prefetch = 0 : i64, scratch_operands = 9 : i64, tpu.core_type = #tpu.core_type<sc_vector_subcore>, window_params = [{transform_indices = #map}, {transform_indices = #map1}, {transform_indices = #map2}]} {
    %mul3A = arith.constant 2 : i32
    %mul3A_0 = arith.muli %arg1, %mul3A : i32
    %add3A = arith.addi %mul3A_0, %arg0 : i32
    %dma_start3A = arith.constant 0 : i32
    %dma_start3A_1 = arith.constant 0 : i32
    %dma_start3A_2 = arith.constant 0 : i32
    %dma_start3A_3 = arith.constant 0 : i32
    %dma_start3A_4 = arith.constant 0 : i32
    %dma_start3A_5 = tpu.memref_slice %arg5[%dma_start3A_2, %dma_start3A_3, %dma_start3A_4] : memref<2x25x80xi32, #tpu.memory_space<vmem>> -> memref<1x25x80xi32, #tpu.memory_space<vmem>>
    %dma_start3A_6 = tpu.memref_squeeze %dma_start3A_5 : memref<1x25x80xi32, #tpu.memory_space<vmem>> -> memref<25x80xi32, #tpu.memory_space<vmem>>
    %dma_start3A_7 = arith.constant 0 : i32
    %dma_start3A_8 = arith.constant 0 : i32
    %dma_start3A_9 = tpu.memref_slice %arg3[%dma_start3A, %add3A, %dma_start3A_1, %dma_start3A_7, %dma_start3A_8] : memref<2x32x5x25x80xi32, #tpu.memory_space<hbm>> -> memref<1x1x1x25x80xi32, #tpu.memory_space<hbm>>
    %dma_start3A_10 = tpu.memref_squeeze %dma_start3A_9 : memref<1x1x1x25x80xi32, #tpu.memory_space<hbm>> -> memref<25x80xi32, #tpu.memory_space<hbm>>
    %dma_start3A_11 = arith.constant 0 : i32
    %dma_start3A_12 = arith.constant 0 : i32
    %dma_start3A_13 = tpu.memref_slice %arg5[%dma_start3A_2, %dma_start3A_11, %dma_start3A_12] : memref<2x25x80xi32, #tpu.memory_space<vmem>> -> memref<1x25x80xi32, #tpu.memory_space<vmem>>
    %dma_start3A_14 = tpu.memref_squeeze %dma_start3A_13 : memref<1x25x80xi32, #tpu.memory_space<vmem>> -> memref<25x80xi32, #tpu.memory_space<vmem>>
    %dma_start3A_15 = arith.constant 0 : i32
    %dma_start3A_16 = arith.constant 0 : i32
    %dma_start3A_17 = tpu.memref_slice %arg3[%dma_start3A, %add3A, %dma_start3A_1, %dma_start3A_15, %dma_start3A_16] : memref<2x32x5x25x80xi32, #tpu.memory_space<hbm>> -> memref<1x1x1x25x80xi32, #tpu.memory_space<hbm>>
    %dma_start3A_18 = tpu.memref_squeeze %dma_start3A_17 : memref<1x1x1x25x80xi32, #tpu.memory_space<hbm>> -> memref<25x80xi32, #tpu.memory_space<hbm>>
    tpu.enqueue_dma source(%dma_start3A_18 : memref<25x80xi32, #tpu.memory_space<hbm>>) target(%dma_start3A_14 : memref<25x80xi32, #tpu.memory_space<vmem>>) target_semaphore(%arg10 : memref<!tpu.dma_semaphore, #tpu.memory_space<semaphore_mem>>)
    %dma_start3A_19 = arith.constant 1 : i32
    %dma_start3A_20 = arith.constant 0 : i32
    %dma_start3A_21 = arith.constant 0 : i32
    %dma_start3A_22 = arith.constant 0 : i32
    %dma_start3A_23 = arith.constant 0 : i32
    %dma_start3A_24 = tpu.memref_slice %arg6[%dma_start3A_21, %dma_start3A_22, %dma_start3A_23] : memref<2x25x80xi32, #tpu.memory_space<vmem>> -> memref<1x25x80xi32, #tpu.memory_space<vmem>>
    %dma_start3A_25 = tpu.memref_squeeze %dma_start3A_24 : memref<1x25x80xi32, #tpu.memory_space<vmem>> -> memref<25x80xi32, #tpu.memory_space<vmem>>
    %dma_start3A_26 = arith.constant 0 : i32
    %dma_start3A_27 = arith.constant 0 : i32
    %dma_start3A_28 = tpu.memref_slice %arg3[%dma_start3A_19, %add3A, %dma_start3A_20, %dma_start3A_26, %dma_start3A_27] : memref<2x32x5x25x80xi32, #tpu.memory_space<hbm>> -> memref<1x1x1x25x80xi32, #tpu.memory_space<hbm>>
    %dma_start3A_29 = tpu.memref_squeeze %dma_start3A_28 : memref<1x1x1x25x80xi32, #tpu.memory_space<hbm>> -> memref<25x80xi32, #tpu.memory_space<hbm>>
    %dma_start3A_30 = arith.constant 0 : i32
    %dma_start3A_31 = arith.constant 0 : i32
    %dma_start3A_32 = tpu.memref_slice %arg6[%dma_start3A_21, %dma_start3A_30, %dma_start3A_31] : memref<2x25x80xi32, #tpu.memory_space<vmem>> -> memref<1x25x80xi32, #tpu.memory_space<vmem>>
    %dma_start3A_33 = tpu.memref_squeeze %dma_start3A_32 : memref<1x25x80xi32, #tpu.memory_space<vmem>> -> memref<25x80xi32, #tpu.memory_space<vmem>>
    %dma_start3A_34 = arith.constant 0 : i32
    %dma_start3A_35 = arith.constant 0 : i32
    %dma_start3A_36 = tpu.memref_slice %arg3[%dma_start3A_19, %add3A, %dma_start3A_20, %dma_start3A_34, %dma_start3A_35] : memref<2x32x5x25x80xi32, #tpu.memory_space<hbm>> -> memref<1x1x1x25x80xi32, #tpu.memory_space<hbm>>
    %dma_start3A_37 = tpu.memref_squeeze %dma_start3A_36 : memref<1x1x1x25x80xi32, #tpu.memory_space<hbm>> -> memref<25x80xi32, #tpu.memory_space<hbm>>
    tpu.enqueue_dma source(%dma_start3A_37 : memref<25x80xi32, #tpu.memory_space<hbm>>) target(%dma_start3A_33 : memref<25x80xi32, #tpu.memory_space<vmem>>) target_semaphore(%arg10 : memref<!tpu.dma_semaphore, #tpu.memory_space<semaphore_mem>>)
    %broadcast_in_dim3A = arith.constant 0.000000e+00 : f32
    %broadcast_in_dim3A_38 = vector.broadcast %broadcast_in_dim3A : f32 to vector<16xf32>
    %scan3A = arith.constant 0 : i32
    %scan3A_39 = arith.constant 0 : i32
    %scan3A_40 = arith.constant 80 : i32
    %scan3A_41 = arith.addi %scan3A_39, %scan3A_40 : i32
    %scan3A_42 = arith.constant 1 : i32
    scf.for %scan3A_104 = %scan3A_39 to %scan3A_41 step %scan3A_42  : i32 {
      %swap3A = arith.index_cast %scan3A_104 : i32 to index
      %swap3A_105 = arith.constant 0 : index
      %swap3A_106 = tpu.vector_load %arg7[%swap3A, %swap3A_105] {strides = array<i32>} : memref<80x128xf32, #tpu.memory_space<vmem>>, vector<1x16xf32>,
      %swap3A_107 = vector.shape_cast %swap3A_106 : vector<1x16xf32> to vector<16xf32>
      %swap3A_108 = vector.shape_cast %broadcast_in_dim3A_38 : vector<16xf32> to vector<1x16xf32>
      tpu.vector_store %arg7[%swap3A, %swap3A_105], %swap3A_108 {strides = array<i32>} : memref<80x128xf32, #tpu.memory_space<vmem>>, vector<1x16xf32>,
      %swap3A_109 = arith.index_cast %scan3A_104 : i32 to index
      %swap3A_110 = arith.constant 16 : index
      %swap3A_111 = tpu.vector_load %arg7[%swap3A_109, %swap3A_110] {strides = array<i32>} : memref<80x128xf32, #tpu.memory_space<vmem>>, vector<1x16xf32>,
      %swap3A_112 = vector.shape_cast %swap3A_111 : vector<1x16xf32> to vector<16xf32>
      %swap3A_113 = vector.shape_cast %broadcast_in_dim3A_38 : vector<16xf32> to vector<1x16xf32>
      tpu.vector_store %arg7[%swap3A_109, %swap3A_110], %swap3A_113 {strides = array<i32>} : memref<80x128xf32, #tpu.memory_space<vmem>>, vector<1x16xf32>,
      %swap3A_114 = arith.index_cast %scan3A_104 : i32 to index
      %swap3A_115 = arith.constant 32 : index
      %swap3A_116 = tpu.vector_load %arg7[%swap3A_114, %swap3A_115] {strides = array<i32>} : memref<80x128xf32, #tpu.memory_space<vmem>>, vector<1x16xf32>,
      %swap3A_117 = vector.shape_cast %swap3A_116 : vector<1x16xf32> to vector<16xf32>
      %swap3A_118 = vector.shape_cast %broadcast_in_dim3A_38 : vector<16xf32> to vector<1x16xf32>
      tpu.vector_store %arg7[%swap3A_114, %swap3A_115], %swap3A_118 {strides = array<i32>} : memref<80x128xf32, #tpu.memory_space<vmem>>, vector<1x16xf32>,
      %swap3A_119 = arith.index_cast %scan3A_104 : i32 to index
      %swap3A_120 = arith.constant 48 : index
      %swap3A_121 = tpu.vector_load %arg7[%swap3A_119, %swap3A_120] {strides = array<i32>} : memref<80x128xf32, #tpu.memory_space<vmem>>, vector<1x16xf32>,
      %swap3A_122 = vector.shape_cast %swap3A_121 : vector<1x16xf32> to vector<16xf32>
      %swap3A_123 = vector.shape_cast %broadcast_in_dim3A_38 : vector<16xf32> to vector<1x16xf32>
      tpu.vector_store %arg7[%swap3A_119, %swap3A_120], %swap3A_123 {strides = array<i32>} : memref<80x128xf32, #tpu.memory_space<vmem>>, vector<1x16xf32>,
      %swap3A_124 = arith.index_cast %scan3A_104 : i32 to index
      %swap3A_125 = arith.constant 64 : index
      %swap3A_126 = tpu.vector_load %arg7[%swap3A_124, %swap3A_125] {strides = array<i32>} : memref<80x128xf32, #tpu.memory_space<vmem>>, vector<1x16xf32>,
      %swap3A_127 = vector.shape_cast %swap3A_126 : vector<1x16xf32> to vector<16xf32>
      %swap3A_128 = vector.shape_cast %broadcast_in_dim3A_38 : vector<16xf32> to vector<1x16xf32>
      tpu.vector_store %arg7[%swap3A_124, %swap3A_125], %swap3A_128 {strides = array<i32>} : memref<80x128xf32, #tpu.memory_space<vmem>>, vector<1x16xf32>,
      %swap3A_129 = arith.index_cast %scan3A_104 : i32 to index
      %swap3A_130 = arith.constant 80 : index
      %swap3A_131 = tpu.vector_load %arg7[%swap3A_129, %swap3A_130] {strides = array<i32>} : memref<80x128xf32, #tpu.memory_space<vmem>>, vector<1x16xf32>,
      %swap3A_132 = vector.shape_cast %swap3A_131 : vector<1x16xf32> to vector<16xf32>
      %swap3A_133 = vector.shape_cast %broadcast_in_dim3A_38 : vector<16xf32> to vector<1x16xf32>
      tpu.vector_store %arg7[%swap3A_129, %swap3A_130], %swap3A_133 {strides = array<i32>} : memref<80x128xf32, #tpu.memory_space<vmem>>, vector<1x16xf32>,
      %swap3A_134 = arith.index_cast %scan3A_104 : i32 to index
      %swap3A_135 = arith.constant 96 : index
      %swap3A_136 = tpu.vector_load %arg7[%swap3A_134, %swap3A_135] {strides = array<i32>} : memref<80x128xf32, #tpu.memory_space<vmem>>, vector<1x16xf32>,
      %swap3A_137 = vector.shape_cast %swap3A_136 : vector<1x16xf32> to vector<16xf32>
      %swap3A_138 = vector.shape_cast %broadcast_in_dim3A_38 : vector<16xf32> to vector<1x16xf32>
      tpu.vector_store %arg7[%swap3A_134, %swap3A_135], %swap3A_138 {strides = array<i32>} : memref<80x128xf32, #tpu.memory_space<vmem>>, vector<1x16xf32>,
      %swap3A_139 = arith.index_cast %scan3A_104 : i32 to index
      %swap3A_140 = arith.constant 112 : index
      %swap3A_141 = tpu.vector_load %arg7[%swap3A_139, %swap3A_140] {strides = array<i32>} : memref<80x128xf32, #tpu.memory_space<vmem>>, vector<1x16xf32>,
      %swap3A_142 = vector.shape_cast %swap3A_141 : vector<1x16xf32> to vector<16xf32>
      %swap3A_143 = vector.shape_cast %broadcast_in_dim3A_38 : vector<16xf32> to vector<1x16xf32>
      tpu.vector_store %arg7[%swap3A_139, %swap3A_140], %swap3A_143 {strides = array<i32>} : memref<80x128xf32, #tpu.memory_space<vmem>>, vector<1x16xf32>,
    }
    %scan3A_43 = arith.constant 80 : i32
    %scan3A_44 = arith.constant 0 : i32
    %scan3A_45 = arith.constant 0 : i32
    %scan3A_46 = arith.constant 8 : i32
    %scan3A_47 = arith.addi %scan3A_45, %scan3A_46 : i32
    %scan3A_48 = arith.constant 1 : i32
    scf.for %scan3A_104 = %scan3A_45 to %scan3A_47 step %scan3A_48  : i32 {
      %mul3A_105 = arith.constant 640 : i32
      %mul3A_106 = arith.muli %arg1, %mul3A_105 : i32
      %mul3A_107 = arith.constant 80 : i32
      %mul3A_108 = arith.muli %scan3A_104, %mul3A_107 : i32
      %add3A_109 = arith.addi %mul3A_106, %mul3A_108 : i32
      %dma_start3A_110 = arith.constant 0 : i32
      %dma_start3A_111 = tpu.memref_slice %arg9[%add3A_109, %dma_start3A_110] : memref<10240x128xf32, #tpu.memory_space<vmem_shared>> -> memref<80x128xf32, #tpu.memory_space<vmem_shared>>
      %dma_start3A_112 = arith.constant 0 : i32
      %dma_start3A_113 = tpu.memref_slice %arg9[%add3A_109, %dma_start3A_112] : memref<10240x128xf32, #tpu.memory_space<vmem_shared>> -> memref<80x128xf32, #tpu.memory_space<vmem_shared>>
      tpu.enqueue_dma source(%arg7 : memref<80x128xf32, #tpu.memory_space<vmem>>) target(%dma_start3A_113 : memref<80x128xf32, #tpu.memory_space<vmem_shared>>) target_semaphore(%arg13 : memref<!tpu.dma_semaphore, #tpu.memory_space<semaphore_mem>>)
    }
    %scan3A_49 = arith.constant 8 : i32
    %scan3A_50 = arith.constant 0 : i32
    %scan3A_51 = arith.constant 0 : i32
    %scan3A_52 = arith.constant 8 : i32
    %scan3A_53 = arith.addi %scan3A_51, %scan3A_52 : i32
    %scan3A_54 = arith.constant 1 : i32
    scf.for %scan3A_104 = %scan3A_51 to %scan3A_53 step %scan3A_54  : i32 {
      %mul3A_105 = arith.constant 640 : i32
      %mul3A_106 = arith.muli %arg1, %mul3A_105 : i32
      %mul3A_107 = arith.constant 80 : i32
      %mul3A_108 = arith.muli %scan3A_104, %mul3A_107 : i32
      %add3A_109 = arith.addi %mul3A_106, %mul3A_108 : i32
      %dma_wait3A_110 = arith.constant 0 : i32
      %dma_wait3A_111 = tpu.memref_slice %arg9[%add3A_109, %dma_wait3A_110] : memref<10240x128xf32, #tpu.memory_space<vmem_shared>> -> memref<80x128xf32, #tpu.memory_space<vmem_shared>>
      %dma_wait3A_112 = arith.constant 0 : i32
      %dma_wait3A_113 = tpu.memref_slice %arg9[%add3A_109, %dma_wait3A_112] : memref<10240x128xf32, #tpu.memory_space<vmem_shared>> -> memref<80x128xf32, #tpu.memory_space<vmem_shared>>
      tpu.wait_dma2 semaphore(%arg13 : memref<!tpu.dma_semaphore, #tpu.memory_space<semaphore_mem>>) src(%arg7 : memref<80x128xf32, #tpu.memory_space<vmem>>) dst(%dma_wait3A_113 : memref<80x128xf32, #tpu.memory_space<vmem_shared>>)
    }
    %scan3A_55 = arith.constant 8 : i32
    %dma_wait3A = arith.constant 0 : i32
    %dma_wait3A_56 = arith.constant 0 : i32
    %dma_wait3A_57 = arith.constant 0 : i32
    %dma_wait3A_58 = arith.constant 0 : i32
    %dma_wait3A_59 = arith.constant 0 : i32
    %dma_wait3A_60 = tpu.memref_slice %arg5[%dma_wait3A_57, %dma_wait3A_58, %dma_wait3A_59] : memref<2x25x80xi32, #tpu.memory_space<vmem>> -> memref<1x25x80xi32, #tpu.memory_space<vmem>>
    %dma_wait3A_61 = tpu.memref_squeeze %dma_wait3A_60 : memref<1x25x80xi32, #tpu.memory_space<vmem>> -> memref<25x80xi32, #tpu.memory_space<vmem>>
    %dma_wait3A_62 = arith.constant 0 : i32
    %dma_wait3A_63 = arith.constant 0 : i32
    %dma_wait3A_64 = tpu.memref_slice %arg3[%dma_wait3A, %add3A, %dma_wait3A_56, %dma_wait3A_62, %dma_wait3A_63] : memref<2x32x5x25x80xi32, #tpu.memory_space<hbm>> -> memref<1x1x1x25x80xi32, #tpu.memory_space<hbm>>
    %dma_wait3A_65 = tpu.memref_squeeze %dma_wait3A_64 : memref<1x1x1x25x80xi32, #tpu.memory_space<hbm>> -> memref<25x80xi32, #tpu.memory_space<hbm>>
    %dma_wait3A_66 = arith.constant 0 : i32
    %dma_wait3A_67 = arith.constant 0 : i32
    %dma_wait3A_68 = tpu.memref_slice %arg5[%dma_wait3A_57, %dma_wait3A_66, %dma_wait3A_67] : memref<2x25x80xi32, #tpu.memory_space<vmem>> -> memref<1x25x80xi32, #tpu.memory_space<vmem>>
    %dma_wait3A_69 = tpu.memref_squeeze %dma_wait3A_68 : memref<1x25x80xi32, #tpu.memory_space<vmem>> -> memref<25x80xi32, #tpu.memory_space<vmem>>
    %dma_wait3A_70 = arith.constant 0 : i32
    %dma_wait3A_71 = arith.constant 0 : i32
    %dma_wait3A_72 = tpu.memref_slice %arg3[%dma_wait3A, %add3A, %dma_wait3A_56, %dma_wait3A_70, %dma_wait3A_71] : memref<2x32x5x25x80xi32, #tpu.memory_space<hbm>> -> memref<1x1x1x25x80xi32, #tpu.memory_space<hbm>>
    %dma_wait3A_73 = tpu.memref_squeeze %dma_wait3A_72 : memref<1x1x1x25x80xi32, #tpu.memory_space<hbm>> -> memref<25x80xi32, #tpu.memory_space<hbm>>
    tpu.wait_dma2 semaphore(%arg10 : memref<!tpu.dma_semaphore, #tpu.memory_space<semaphore_mem>>) src(%dma_wait3A_73 : memref<25x80xi32, #tpu.memory_space<hbm>>) dst(%dma_wait3A_69 : memref<25x80xi32, #tpu.memory_space<vmem>>)
    %dma_wait3A_74 = arith.constant 1 : i32
    %dma_wait3A_75 = arith.constant 0 : i32
    %dma_wait3A_76 = arith.constant 0 : i32
    %dma_wait3A_77 = arith.constant 0 : i32
    %dma_wait3A_78 = arith.constant 0 : i32
    %dma_wait3A_79 = tpu.memref_slice %arg6[%dma_wait3A_76, %dma_wait3A_77, %dma_wait3A_78] : memref<2x25x80xi32, #tpu.memory_space<vmem>> -> memref<1x25x80xi32, #tpu.memory_space<vmem>>
    %dma_wait3A_80 = tpu.memref_squeeze %dma_wait3A_79 : memref<1x25x80xi32, #tpu.memory_space<vmem>> -> memref<25x80xi32, #tpu.memory_space<vmem>>
    %dma_wait3A_81 = arith.constant 0 : i32
    %dma_wait3A_82 = arith.constant 0 : i32
    %dma_wait3A_83 = tpu.memref_slice %arg3[%dma_wait3A_74, %add3A, %dma_wait3A_75, %dma_wait3A_81, %dma_wait3A_82] : memref<2x32x5x25x80xi32, #tpu.memory_space<hbm>> -> memref<1x1x1x25x80xi32, #tpu.memory_space<hbm>>
    %dma_wait3A_84 = tpu.memref_squeeze %dma_wait3A_83 : memref<1x1x1x25x80xi32, #tpu.memory_space<hbm>> -> memref<25x80xi32, #tpu.memory_space<hbm>>
    %dma_wait3A_85 = arith.constant 0 : i32
    %dma_wait3A_86 = arith.constant 0 : i32
    %dma_wait3A_87 = tpu.memref_slice %arg6[%dma_wait3A_76, %dma_wait3A_85, %dma_wait3A_86] : memref<2x25x80xi32, #tpu.memory_space<vmem>> -> memref<1x25x80xi32, #tpu.memory_space<vmem>>
    %dma_wait3A_88 = tpu.memref_squeeze %dma_wait3A_87 : memref<1x25x80xi32, #tpu.memory_space<vmem>> -> memref<25x80xi32, #tpu.memory_space<vmem>>
    %dma_wait3A_89 = arith.constant 0 : i32
    %dma_wait3A_90 = arith.constant 0 : i32
    %dma_wait3A_91 = tpu.memref_slice %arg3[%dma_wait3A_74, %add3A, %dma_wait3A_75, %dma_wait3A_89, %dma_wait3A_90] : memref<2x32x5x25x80xi32, #tpu.memory_space<hbm>> -> memref<1x1x1x25x80xi32, #tpu.memory_space<hbm>>
    %dma_wait3A_92 = tpu.memref_squeeze %dma_wait3A_91 : memref<1x1x1x25x80xi32, #tpu.memory_space<hbm>> -> memref<25x80xi32, #tpu.memory_space<hbm>>
    tpu.wait_dma2 semaphore(%arg10 : memref<!tpu.dma_semaphore, #tpu.memory_space<semaphore_mem>>) src(%dma_wait3A_92 : memref<25x80xi32, #tpu.memory_space<hbm>>) dst(%dma_wait3A_88 : memref<25x80xi32, #tpu.memory_space<vmem>>)
    %barrier3A = arith.constant 0 : index
    tpu.barrier barrier_id(%barrier3A)
    %scan3A_93 = arith.constant 0 : i32
    %scan3A_94 = arith.constant 0 : i32
    %scan3A_95 = arith.constant 5 : i32
    %scan3A_96 = arith.addi %scan3A_94, %scan3A_95 : i32
    %scan3A_97 = arith.constant 1 : i32
    scf.for %scan3A_104 = %scan3A_94 to %scan3A_96 step %scan3A_97  : i32 {
      %rem3A = arith.constant 2 : i32
      %rem3A_105 = arith.remsi %scan3A_104, %rem3A : i32
      %lt3A = arith.constant 4 : i32
      %lt3A_106 = arith.cmpi slt, %scan3A_104, %lt3A : i32
      %convert_element_type3A = arith.extui %lt3A_106 : i1 to i32
      %cond3A = arith.constant 0 : i32
      %cond3A_107 = arith.cmpi ne, %convert_element_type3A, %cond3A : i32
      scf.if %cond3A_107 {
        %add3A_133 = arith.constant 1 : i32
        %add3A_134 = arith.addi %scan3A_104, %add3A_133 : i32
        %sub3A = arith.constant 1 : i32
        %sub3A_135 = arith.subi %sub3A, %rem3A_105 : i32
        %dma_start3A_136 = arith.constant 0 : i32
        %dma_start3A_137 = arith.constant 0 : i32
        %dma_start3A_138 = arith.constant 0 : i32
        %dma_start3A_139 = tpu.memref_slice %arg5[%sub3A_135, %dma_start3A_137, %dma_start3A_138] : memref<2x25x80xi32, #tpu.memory_space<vmem>> -> memref<1x25x80xi32, #tpu.memory_space<vmem>>
        %dma_start3A_140 = tpu.memref_squeeze %dma_start3A_139 : memref<1x25x80xi32, #tpu.memory_space<vmem>> -> memref<25x80xi32, #tpu.memory_space<vmem>>
        %dma_start3A_141 = arith.constant 0 : i32
        %dma_start3A_142 = arith.constant 0 : i32
        %dma_start3A_143 = tpu.memref_slice %arg3[%dma_start3A_136, %add3A, %add3A_134, %dma_start3A_141, %dma_start3A_142] : memref<2x32x5x25x80xi32, #tpu.memory_space<hbm>> -> memref<1x1x1x25x80xi32, #tpu.memory_space<hbm>>
        %dma_start3A_144 = tpu.memref_squeeze %dma_start3A_143 : memref<1x1x1x25x80xi32, #tpu.memory_space<hbm>> -> memref<25x80xi32, #tpu.memory_space<hbm>>
        %dma_start3A_145 = arith.constant 0 : i32
        %dma_start3A_146 = arith.constant 0 : i32
        %dma_start3A_147 = tpu.memref_slice %arg5[%sub3A_135, %dma_start3A_145, %dma_start3A_146] : memref<2x25x80xi32, #tpu.memory_space<vmem>> -> memref<1x25x80xi32, #tpu.memory_space<vmem>>
        %dma_start3A_148 = tpu.memref_squeeze %dma_start3A_147 : memref<1x25x80xi32, #tpu.memory_space<vmem>> -> memref<25x80xi32, #tpu.memory_space<vmem>>
        %dma_start3A_149 = arith.constant 0 : i32
        %dma_start3A_150 = arith.constant 0 : i32
        %dma_start3A_151 = tpu.memref_slice %arg3[%dma_start3A_136, %add3A, %add3A_134, %dma_start3A_149, %dma_start3A_150] : memref<2x32x5x25x80xi32, #tpu.memory_space<hbm>> -> memref<1x1x1x25x80xi32, #tpu.memory_space<hbm>>
        %dma_start3A_152 = tpu.memref_squeeze %dma_start3A_151 : memref<1x1x1x25x80xi32, #tpu.memory_space<hbm>> -> memref<25x80xi32, #tpu.memory_space<hbm>>
        tpu.enqueue_dma source(%dma_start3A_152 : memref<25x80xi32, #tpu.memory_space<hbm>>) target(%dma_start3A_148 : memref<25x80xi32, #tpu.memory_space<vmem>>) target_semaphore(%arg10 : memref<!tpu.dma_semaphore, #tpu.memory_space<semaphore_mem>>)
        %add3A_153 = arith.constant 1 : i32
        %add3A_154 = arith.addi %scan3A_104, %add3A_153 : i32
        %sub3A_155 = arith.constant 1 : i32
        %sub3A_156 = arith.subi %sub3A_155, %rem3A_105 : i32
        %dma_start3A_157 = arith.constant 1 : i32
        %dma_start3A_158 = arith.constant 0 : i32
        %dma_start3A_159 = arith.constant 0 : i32
        %dma_start3A_160 = tpu.memref_slice %arg6[%sub3A_156, %dma_start3A_158, %dma_start3A_159] : memref<2x25x80xi32, #tpu.memory_space<vmem>> -> memref<1x25x80xi32, #tpu.memory_space<vmem>>
        %dma_start3A_161 = tpu.memref_squeeze %dma_start3A_160 : memref<1x25x80xi32, #tpu.memory_space<vmem>> -> memref<25x80xi32, #tpu.memory_space<vmem>>
        %dma_start3A_162 = arith.constant 0 : i32
        %dma_start3A_163 = arith.constant 0 : i32
        %dma_start3A_164 = tpu.memref_slice %arg3[%dma_start3A_157, %add3A, %add3A_154, %dma_start3A_162, %dma_start3A_163] : memref<2x32x5x25x80xi32, #tpu.memory_space<hbm>> -> memref<1x1x1x25x80xi32, #tpu.memory_space<hbm>>
        %dma_start3A_165 = tpu.memref_squeeze %dma_start3A_164 : memref<1x1x1x25x80xi32, #tpu.memory_space<hbm>> -> memref<25x80xi32, #tpu.memory_space<hbm>>
        %dma_start3A_166 = arith.constant 0 : i32
        %dma_start3A_167 = arith.constant 0 : i32
        %dma_start3A_168 = tpu.memref_slice %arg6[%sub3A_156, %dma_start3A_166, %dma_start3A_167] : memref<2x25x80xi32, #tpu.memory_space<vmem>> -> memref<1x25x80xi32, #tpu.memory_space<vmem>>
        %dma_start3A_169 = tpu.memref_squeeze %dma_start3A_168 : memref<1x25x80xi32, #tpu.memory_space<vmem>> -> memref<25x80xi32, #tpu.memory_space<vmem>>
        %dma_start3A_170 = arith.constant 0 : i32
        %dma_start3A_171 = arith.constant 0 : i32
        %dma_start3A_172 = tpu.memref_slice %arg3[%dma_start3A_157, %add3A, %add3A_154, %dma_start3A_170, %dma_start3A_171] : memref<2x32x5x25x80xi32, #tpu.memory_space<hbm>> -> memref<1x1x1x25x80xi32, #tpu.memory_space<hbm>>
        %dma_start3A_173 = tpu.memref_squeeze %dma_start3A_172 : memref<1x1x1x25x80xi32, #tpu.memory_space<hbm>> -> memref<25x80xi32, #tpu.memory_space<hbm>>
        tpu.enqueue_dma source(%dma_start3A_173 : memref<25x80xi32, #tpu.memory_space<hbm>>) target(%dma_start3A_169 : memref<25x80xi32, #tpu.memory_space<vmem>>) target_semaphore(%arg10 : memref<!tpu.dma_semaphore, #tpu.memory_space<semaphore_mem>>)
      } else {
      }
      %dma_start3A_108 = arith.constant 0 : i32
      %dma_start3A_109 = arith.constant 0 : i32
      %dma_start3A_110 = tpu.memref_slice %arg5[%rem3A_105, %dma_start3A_108, %dma_start3A_109] : memref<2x25x80xi32, #tpu.memory_space<vmem>> -> memref<1x1x80xi32, #tpu.memory_space<vmem>>
      %dma_start3A_111 = tpu.memref_squeeze %dma_start3A_110 : memref<1x1x80xi32, #tpu.memory_space<vmem>> -> memref<80xi32, #tpu.memory_space<vmem>>
      %dma_start3A_112 = arith.constant 0 : i32
      %dma_start3A_113 = arith.constant 0 : i32
      %dma_start3A_114 = tpu.memref_slice %arg2[%dma_start3A_112, %dma_start3A_113] : memref<10000x128xf32, #tpu.memory_space<hbm>> -> memref<10000x128xf32, #tpu.memory_space<hbm>>
      tpu.enqueue_indirect_dma source(%dma_start3A_114 : memref<10000x128xf32, #tpu.memory_space<hbm>>) target(%arg7 : memref<80x128xf32, #tpu.memory_space<vmem>>) offsets(%dma_start3A_111 : memref<80xi32, #tpu.memory_space<vmem>>) semaphore(%arg11 : memref<!tpu.dma_semaphore, #tpu.memory_space<semaphore_mem>>)
      %scan3A_115 = arith.constant 0 : i32
      %scan3A_116 = arith.constant 0 : i32
      %scan3A_117 = arith.constant 12 : i32
      %scan3A_118 = arith.addi %scan3A_116, %scan3A_117 : i32
      %scan3A_119 = arith.constant 1 : i32
      scf.for %scan3A_133 = %scan3A_116 to %scan3A_118 step %scan3A_119  : i32 {
        %mul3A_134 = arith.constant 2 : i32
        %mul3A_135 = arith.muli %mul3A_134, %scan3A_133 : i32
        %add3A_136 = arith.constant 1 : i32
        %add3A_137 = arith.addi %mul3A_135, %add3A_136 : i32
        %dma_start3A_138 = arith.constant 0 : i32
        %dma_start3A_139 = tpu.memref_slice %arg5[%rem3A_105, %add3A_137, %dma_start3A_138] : memref<2x25x80xi32, #tpu.memory_space<vmem>> -> memref<1x1x80xi32, #tpu.memory_space<vmem>>
        %dma_start3A_140 = tpu.memref_squeeze %dma_start3A_139 : memref<1x1x80xi32, #tpu.memory_space<vmem>> -> memref<80xi32, #tpu.memory_space<vmem>>
        %dma_start3A_141 = arith.constant 0 : i32
        %dma_start3A_142 = arith.constant 0 : i32
        %dma_start3A_143 = tpu.memref_slice %arg2[%dma_start3A_141, %dma_start3A_142] : memref<10000x128xf32, #tpu.memory_space<hbm>> -> memref<10000x128xf32, #tpu.memory_space<hbm>>
        tpu.enqueue_indirect_dma source(%dma_start3A_143 : memref<10000x128xf32, #tpu.memory_space<hbm>>) target(%arg8 : memref<80x128xf32, #tpu.memory_space<vmem>>) offsets(%dma_start3A_140 : memref<80xi32, #tpu.memory_space<vmem>>) semaphore(%arg12 : memref<!tpu.dma_semaphore, #tpu.memory_space<semaphore_mem>>)
        %dma_wait3A_144 = arith.constant 0 : i32
        %dma_wait3A_145 = tpu.memref_slice %arg5[%rem3A_105, %mul3A_135, %dma_wait3A_144] : memref<2x25x80xi32, #tpu.memory_space<vmem>> -> memref<1x1x80xi32, #tpu.memory_space<vmem>>
        %dma_wait3A_146 = tpu.memref_squeeze %dma_wait3A_145 : memref<1x1x80xi32, #tpu.memory_space<vmem>> -> memref<80xi32, #tpu.memory_space<vmem>>
        %dma_wait3A_147 = arith.constant 0 : i32
        %dma_wait3A_148 = arith.constant 0 : i32
        %dma_wait3A_149 = tpu.memref_slice %arg2[%dma_wait3A_147, %dma_wait3A_148] : memref<10000x128xf32, #tpu.memory_space<hbm>> -> memref<10000x128xf32, #tpu.memory_space<hbm>>
        tpu.wait_indirect_dma semaphore(%arg11 : memref<!tpu.dma_semaphore, #tpu.memory_space<semaphore_mem>>) src(%dma_wait3A_149 : memref<10000x128xf32, #tpu.memory_space<hbm>>) dst(%arg7 : memref<80x128xf32, #tpu.memory_space<vmem>>)
        "tpu.region"() ({
          %run_scoped3A_168 = tpu.sem_alloc : memref<!tpu.dma_semaphore, #tpu.memory_space<semaphore_mem>>
          %dma_start3A_169 = arith.constant 0 : i32
          %dma_start3A_170 = tpu.memref_slice %arg6[%rem3A_105, %mul3A_135, %dma_start3A_169] : memref<2x25x80xi32, #tpu.memory_space<vmem>> -> memref<1x1x80xi32, #tpu.memory_space<vmem>>
          %dma_start3A_171 = tpu.memref_squeeze %dma_start3A_170 : memref<1x1x80xi32, #tpu.memory_space<vmem>> -> memref<80xi32, #tpu.memory_space<vmem>>
          %dma_start3A_172 = arith.constant 0 : i32
          %dma_start3A_173 = arith.constant 0 : i32
          %dma_start3A_174 = tpu.memref_slice %arg9[%dma_start3A_172, %dma_start3A_173] : memref<10240x128xf32, #tpu.memory_space<vmem_shared>> -> memref<10240x128xf32, #tpu.memory_space<vmem_shared>>
          tpu.enqueue_indirect_dma source(%arg7 : memref<80x128xf32, #tpu.memory_space<vmem>>) target(%dma_start3A_174 : memref<10240x128xf32, #tpu.memory_space<vmem_shared>>) offsets(%dma_start3A_171 : memref<80xi32, #tpu.memory_space<vmem>>) semaphore(%run_scoped3A_168 : memref<!tpu.dma_semaphore, #tpu.memory_space<semaphore_mem>>) {add = true}
          %dma_wait3A_175 = arith.constant 0 : i32
          %dma_wait3A_176 = tpu.memref_slice %arg6[%rem3A_105, %mul3A_135, %dma_wait3A_175] : memref<2x25x80xi32, #tpu.memory_space<vmem>> -> memref<1x1x80xi32, #tpu.memory_space<vmem>>
          %dma_wait3A_177 = tpu.memref_squeeze %dma_wait3A_176 : memref<1x1x80xi32, #tpu.memory_space<vmem>> -> memref<80xi32, #tpu.memory_space<vmem>>
          %dma_wait3A_178 = arith.constant 0 : i32
          %dma_wait3A_179 = arith.constant 0 : i32
          %dma_wait3A_180 = tpu.memref_slice %arg9[%dma_wait3A_178, %dma_wait3A_179] : memref<10240x128xf32, #tpu.memory_space<vmem_shared>> -> memref<10240x128xf32, #tpu.memory_space<vmem_shared>>
          tpu.wait_indirect_dma semaphore(%run_scoped3A_168 : memref<!tpu.dma_semaphore, #tpu.memory_space<semaphore_mem>>) src(%arg7 : memref<80x128xf32, #tpu.memory_space<vmem>>) dst(%dma_wait3A_180 : memref<10240x128xf32, #tpu.memory_space<vmem_shared>>)
          tpu.yield
        }) : () -> ()
        %add3A_150 = arith.constant 2 : i32
        %add3A_151 = arith.addi %mul3A_135, %add3A_150 : i32
        %dma_start3A_152 = arith.constant 0 : i32
        %dma_start3A_153 = tpu.memref_slice %arg5[%rem3A_105, %add3A_151, %dma_start3A_152] : memref<2x25x80xi32, #tpu.memory_space<vmem>> -> memref<1x1x80xi32, #tpu.memory_space<vmem>>
        %dma_start3A_154 = tpu.memref_squeeze %dma_start3A_153 : memref<1x1x80xi32, #tpu.memory_space<vmem>> -> memref<80xi32, #tpu.memory_space<vmem>>
        %dma_start3A_155 = arith.constant 0 : i32
        %dma_start3A_156 = arith.constant 0 : i32
        %dma_start3A_157 = tpu.memref_slice %arg2[%dma_start3A_155, %dma_start3A_156] : memref<10000x128xf32, #tpu.memory_space<hbm>> -> memref<10000x128xf32, #tpu.memory_space<hbm>>
        tpu.enqueue_indirect_dma source(%dma_start3A_157 : memref<10000x128xf32, #tpu.memory_space<hbm>>) target(%arg7 : memref<80x128xf32, #tpu.memory_space<vmem>>) offsets(%dma_start3A_154 : memref<80xi32, #tpu.memory_space<vmem>>) semaphore(%arg11 : memref<!tpu.dma_semaphore, #tpu.memory_space<semaphore_mem>>)
        %add3A_158 = arith.constant 1 : i32
        %add3A_159 = arith.addi %mul3A_135, %add3A_158 : i32
        %dma_wait3A_160 = arith.constant 0 : i32
        %dma_wait3A_161 = tpu.memref_slice %arg5[%rem3A_105, %add3A_159, %dma_wait3A_160] : memref<2x25x80xi32, #tpu.memory_space<vmem>> -> memref<1x1x80xi32, #tpu.memory_space<vmem>>
        %dma_wait3A_162 = tpu.memref_squeeze %dma_wait3A_161 : memref<1x1x80xi32, #tpu.memory_space<vmem>> -> memref<80xi32, #tpu.memory_space<vmem>>
        %dma_wait3A_163 = arith.constant 0 : i32
        %dma_wait3A_164 = arith.constant 0 : i32
        %dma_wait3A_165 = tpu.memref_slice %arg2[%dma_wait3A_163, %dma_wait3A_164] : memref<10000x128xf32, #tpu.memory_space<hbm>> -> memref<10000x128xf32, #tpu.memory_space<hbm>>
        tpu.wait_indirect_dma semaphore(%arg12 : memref<!tpu.dma_semaphore, #tpu.memory_space<semaphore_mem>>) src(%dma_wait3A_165 : memref<10000x128xf32, #tpu.memory_space<hbm>>) dst(%arg8 : memref<80x128xf32, #tpu.memory_space<vmem>>)
        %add3A_166 = arith.constant 1 : i32
        %add3A_167 = arith.addi %mul3A_135, %add3A_166 : i32
        "tpu.region"() ({
          %run_scoped3A_168 = tpu.sem_alloc : memref<!tpu.dma_semaphore, #tpu.memory_space<semaphore_mem>>
          %dma_start3A_169 = arith.constant 0 : i32
          %dma_start3A_170 = tpu.memref_slice %arg6[%rem3A_105, %add3A_167, %dma_start3A_169] : memref<2x25x80xi32, #tpu.memory_space<vmem>> -> memref<1x1x80xi32, #tpu.memory_space<vmem>>
          %dma_start3A_171 = tpu.memref_squeeze %dma_start3A_170 : memref<1x1x80xi32, #tpu.memory_space<vmem>> -> memref<80xi32, #tpu.memory_space<vmem>>
          %dma_start3A_172 = arith.constant 0 : i32
          %dma_start3A_173 = arith.constant 0 : i32
          %dma_start3A_174 = tpu.memref_slice %arg9[%dma_start3A_172, %dma_start3A_173] : memref<10240x128xf32, #tpu.memory_space<vmem_shared>> -> memref<10240x128xf32, #tpu.memory_space<vmem_shared>>
          tpu.enqueue_indirect_dma source(%arg8 : memref<80x128xf32, #tpu.memory_space<vmem>>) target(%dma_start3A_174 : memref<10240x128xf32, #tpu.memory_space<vmem_shared>>) offsets(%dma_start3A_171 : memref<80xi32, #tpu.memory_space<vmem>>) semaphore(%run_scoped3A_168 : memref<!tpu.dma_semaphore, #tpu.memory_space<semaphore_mem>>) {add = true}
          %dma_wait3A_175 = arith.constant 0 : i32
          %dma_wait3A_176 = tpu.memref_slice %arg6[%rem3A_105, %add3A_167, %dma_wait3A_175] : memref<2x25x80xi32, #tpu.memory_space<vmem>> -> memref<1x1x80xi32, #tpu.memory_space<vmem>>
          %dma_wait3A_177 = tpu.memref_squeeze %dma_wait3A_176 : memref<1x1x80xi32, #tpu.memory_space<vmem>> -> memref<80xi32, #tpu.memory_space<vmem>>
          %dma_wait3A_178 = arith.constant 0 : i32
          %dma_wait3A_179 = arith.constant 0 : i32
          %dma_wait3A_180 = tpu.memref_slice %arg9[%dma_wait3A_178, %dma_wait3A_179] : memref<10240x128xf32, #tpu.memory_space<vmem_shared>> -> memref<10240x128xf32, #tpu.memory_space<vmem_shared>>
          tpu.wait_indirect_dma semaphore(%run_scoped3A_168 : memref<!tpu.dma_semaphore, #tpu.memory_space<semaphore_mem>>) src(%arg8 : memref<80x128xf32, #tpu.memory_space<vmem>>) dst(%dma_wait3A_180 : memref<10240x128xf32, #tpu.memory_space<vmem_shared>>)
          tpu.yield
        }) : () -> ()
      }
      %scan3A_120 = arith.constant 12 : i32
      %dma_wait3A_121 = arith.constant 24 : i32
      %dma_wait3A_122 = arith.constant 0 : i32
      %dma_wait3A_123 = tpu.memref_slice %arg5[%rem3A_105, %dma_wait3A_121, %dma_wait3A_122] : memref<2x25x80xi32, #tpu.memory_space<vmem>> -> memref<1x1x80xi32, #tpu.memory_space<vmem>>
      %dma_wait3A_124 = tpu.memref_squeeze %dma_wait3A_123 : memref<1x1x80xi32, #tpu.memory_space<vmem>> -> memref<80xi32, #tpu.memory_space<vmem>>
      %dma_wait3A_125 = arith.constant 0 : i32
      %dma_wait3A_126 = arith.constant 0 : i32
      %dma_wait3A_127 = tpu.memref_slice %arg2[%dma_wait3A_125, %dma_wait3A_126] : memref<10000x128xf32, #tpu.memory_space<hbm>> -> memref<10000x128xf32, #tpu.memory_space<hbm>>
      tpu.wait_indirect_dma semaphore(%arg11 : memref<!tpu.dma_semaphore, #tpu.memory_space<semaphore_mem>>) src(%dma_wait3A_127 : memref<10000x128xf32, #tpu.memory_space<hbm>>) dst(%arg7 : memref<80x128xf32, #tpu.memory_space<vmem>>)
      %run_scoped3A = arith.constant 24 : i32
      "tpu.region"() ({
        %run_scoped3A_133 = tpu.sem_alloc : memref<!tpu.dma_semaphore, #tpu.memory_space<semaphore_mem>>
        %dma_start3A_134 = arith.constant 0 : i32
        %dma_start3A_135 = tpu.memref_slice %arg6[%rem3A_105, %run_scoped3A, %dma_start3A_134] : memref<2x25x80xi32, #tpu.memory_space<vmem>> -> memref<1x1x80xi32, #tpu.memory_space<vmem>>
        %dma_start3A_136 = tpu.memref_squeeze %dma_start3A_135 : memref<1x1x80xi32, #tpu.memory_space<vmem>> -> memref<80xi32, #tpu.memory_space<vmem>>
        %dma_start3A_137 = arith.constant 0 : i32
        %dma_start3A_138 = arith.constant 0 : i32
        %dma_start3A_139 = tpu.memref_slice %arg9[%dma_start3A_137, %dma_start3A_138] : memref<10240x128xf32, #tpu.memory_space<vmem_shared>> -> memref<10240x128xf32, #tpu.memory_space<vmem_shared>>
        tpu.enqueue_indirect_dma source(%arg7 : memref<80x128xf32, #tpu.memory_space<vmem>>) target(%dma_start3A_139 : memref<10240x128xf32, #tpu.memory_space<vmem_shared>>) offsets(%dma_start3A_136 : memref<80xi32, #tpu.memory_space<vmem>>) semaphore(%run_scoped3A_133 : memref<!tpu.dma_semaphore, #tpu.memory_space<semaphore_mem>>) {add = true}
        %dma_wait3A_140 = arith.constant 0 : i32
        %dma_wait3A_141 = tpu.memref_slice %arg6[%rem3A_105, %run_scoped3A, %dma_wait3A_140] : memref<2x25x80xi32, #tpu.memory_space<vmem>> -> memref<1x1x80xi32, #tpu.memory_space<vmem>>
        %dma_wait3A_142 = tpu.memref_squeeze %dma_wait3A_141 : memref<1x1x80xi32, #tpu.memory_space<vmem>> -> memref<80xi32, #tpu.memory_space<vmem>>
        %dma_wait3A_143 = arith.constant 0 : i32
        %dma_wait3A_144 = arith.constant 0 : i32
        %dma_wait3A_145 = tpu.memref_slice %arg9[%dma_wait3A_143, %dma_wait3A_144] : memref<10240x128xf32, #tpu.memory_space<vmem_shared>> -> memref<10240x128xf32, #tpu.memory_space<vmem_shared>>
        tpu.wait_indirect_dma semaphore(%run_scoped3A_133 : memref<!tpu.dma_semaphore, #tpu.memory_space<semaphore_mem>>) src(%arg7 : memref<80x128xf32, #tpu.memory_space<vmem>>) dst(%dma_wait3A_145 : memref<10240x128xf32, #tpu.memory_space<vmem_shared>>)
        tpu.yield
      }) : () -> ()
      %lt3A_128 = arith.constant 4 : i32
      %lt3A_129 = arith.cmpi slt, %scan3A_104, %lt3A_128 : i32
      %convert_element_type3A_130 = arith.extui %lt3A_129 : i1 to i32
      %cond3A_131 = arith.constant 0 : i32
      %cond3A_132 = arith.cmpi ne, %convert_element_type3A_130, %cond3A_131 : i32
      scf.if %cond3A_132 {
        %add3A_133 = arith.constant 1 : i32
        %add3A_134 = arith.addi %scan3A_104, %add3A_133 : i32
        %sub3A = arith.constant 1 : i32
        %sub3A_135 = arith.subi %sub3A, %rem3A_105 : i32
        %dma_wait3A_136 = arith.constant 0 : i32
        %dma_wait3A_137 = arith.constant 0 : i32
        %dma_wait3A_138 = arith.constant 0 : i32
        %dma_wait3A_139 = tpu.memref_slice %arg5[%sub3A_135, %dma_wait3A_137, %dma_wait3A_138] : memref<2x25x80xi32, #tpu.memory_space<vmem>> -> memref<1x25x80xi32, #tpu.memory_space<vmem>>
        %dma_wait3A_140 = tpu.memref_squeeze %dma_wait3A_139 : memref<1x25x80xi32, #tpu.memory_space<vmem>> -> memref<25x80xi32, #tpu.memory_space<vmem>>
        %dma_wait3A_141 = arith.constant 0 : i32
        %dma_wait3A_142 = arith.constant 0 : i32
        %dma_wait3A_143 = tpu.memref_slice %arg3[%dma_wait3A_136, %add3A, %add3A_134, %dma_wait3A_141, %dma_wait3A_142] : memref<2x32x5x25x80xi32, #tpu.memory_space<hbm>> -> memref<1x1x1x25x80xi32, #tpu.memory_space<hbm>>
        %dma_wait3A_144 = tpu.memref_squeeze %dma_wait3A_143 : memref<1x1x1x25x80xi32, #tpu.memory_space<hbm>> -> memref<25x80xi32, #tpu.memory_space<hbm>>
        %dma_wait3A_145 = arith.constant 0 : i32
        %dma_wait3A_146 = arith.constant 0 : i32
        %dma_wait3A_147 = tpu.memref_slice %arg5[%sub3A_135, %dma_wait3A_145, %dma_wait3A_146] : memref<2x25x80xi32, #tpu.memory_space<vmem>> -> memref<1x25x80xi32, #tpu.memory_space<vmem>>
        %dma_wait3A_148 = tpu.memref_squeeze %dma_wait3A_147 : memref<1x25x80xi32, #tpu.memory_space<vmem>> -> memref<25x80xi32, #tpu.memory_space<vmem>>
        %dma_wait3A_149 = arith.constant 0 : i32
        %dma_wait3A_150 = arith.constant 0 : i32
        %dma_wait3A_151 = tpu.memref_slice %arg3[%dma_wait3A_136, %add3A, %add3A_134, %dma_wait3A_149, %dma_wait3A_150] : memref<2x32x5x25x80xi32, #tpu.memory_space<hbm>> -> memref<1x1x1x25x80xi32, #tpu.memory_space<hbm>>
        %dma_wait3A_152 = tpu.memref_squeeze %dma_wait3A_151 : memref<1x1x1x25x80xi32, #tpu.memory_space<hbm>> -> memref<25x80xi32, #tpu.memory_space<hbm>>
        tpu.wait_dma2 semaphore(%arg10 : memref<!tpu.dma_semaphore, #tpu.memory_space<semaphore_mem>>) src(%dma_wait3A_152 : memref<25x80xi32, #tpu.memory_space<hbm>>) dst(%dma_wait3A_148 : memref<25x80xi32, #tpu.memory_space<vmem>>)
        %add3A_153 = arith.constant 1 : i32
        %add3A_154 = arith.addi %scan3A_104, %add3A_153 : i32
        %sub3A_155 = arith.constant 1 : i32
        %sub3A_156 = arith.subi %sub3A_155, %rem3A_105 : i32
        %dma_wait3A_157 = arith.constant 1 : i32
        %dma_wait3A_158 = arith.constant 0 : i32
        %dma_wait3A_159 = arith.constant 0 : i32
        %dma_wait3A_160 = tpu.memref_slice %arg6[%sub3A_156, %dma_wait3A_158, %dma_wait3A_159] : memref<2x25x80xi32, #tpu.memory_space<vmem>> -> memref<1x25x80xi32, #tpu.memory_space<vmem>>
        %dma_wait3A_161 = tpu.memref_squeeze %dma_wait3A_160 : memref<1x25x80xi32, #tpu.memory_space<vmem>> -> memref<25x80xi32, #tpu.memory_space<vmem>>
        %dma_wait3A_162 = arith.constant 0 : i32
        %dma_wait3A_163 = arith.constant 0 : i32
        %dma_wait3A_164 = tpu.memref_slice %arg3[%dma_wait3A_157, %add3A, %add3A_154, %dma_wait3A_162, %dma_wait3A_163] : memref<2x32x5x25x80xi32, #tpu.memory_space<hbm>> -> memref<1x1x1x25x80xi32, #tpu.memory_space<hbm>>
        %dma_wait3A_165 = tpu.memref_squeeze %dma_wait3A_164 : memref<1x1x1x25x80xi32, #tpu.memory_space<hbm>> -> memref<25x80xi32, #tpu.memory_space<hbm>>
        %dma_wait3A_166 = arith.constant 0 : i32
        %dma_wait3A_167 = arith.constant 0 : i32
        %dma_wait3A_168 = tpu.memref_slice %arg6[%sub3A_156, %dma_wait3A_166, %dma_wait3A_167] : memref<2x25x80xi32, #tpu.memory_space<vmem>> -> memref<1x25x80xi32, #tpu.memory_space<vmem>>
        %dma_wait3A_169 = tpu.memref_squeeze %dma_wait3A_168 : memref<1x25x80xi32, #tpu.memory_space<vmem>> -> memref<25x80xi32, #tpu.memory_space<vmem>>
        %dma_wait3A_170 = arith.constant 0 : i32
        %dma_wait3A_171 = arith.constant 0 : i32
        %dma_wait3A_172 = tpu.memref_slice %arg3[%dma_wait3A_157, %add3A, %add3A_154, %dma_wait3A_170, %dma_wait3A_171] : memref<2x32x5x25x80xi32, #tpu.memory_space<hbm>> -> memref<1x1x1x25x80xi32, #tpu.memory_space<hbm>>
        %dma_wait3A_173 = tpu.memref_squeeze %dma_wait3A_172 : memref<1x1x1x25x80xi32, #tpu.memory_space<hbm>> -> memref<25x80xi32, #tpu.memory_space<hbm>>
        tpu.wait_dma2 semaphore(%arg10 : memref<!tpu.dma_semaphore, #tpu.memory_space<semaphore_mem>>) src(%dma_wait3A_173 : memref<25x80xi32, #tpu.memory_space<hbm>>) dst(%dma_wait3A_169 : memref<25x80xi32, #tpu.memory_space<vmem>>)
      } else {
      }
    }
    %scan3A_98 = arith.constant 5 : i32
    %barrier3A_99 = arith.constant 0 : index
    tpu.barrier barrier_id(%barrier3A_99)
    %mul3A_100 = arith.constant 640 : i32
    %mul3A_101 = arith.muli %arg1, %mul3A_100 : i32
    %mul3A_102 = arith.constant 640 : i32
    %mul3A_103 = arith.muli %arg1, %mul3A_102 : i32
    "tpu.region"() ({
      %run_scoped3A = tpu.sem_alloc : memref<!tpu.dma_semaphore, #tpu.memory_space<semaphore_mem>>
      %dma_start3A_104 = arith.constant 0 : i32
      %dma_start3A_105 = tpu.memref_slice %arg4[%arg0, %mul3A_103, %dma_start3A_104] : memref<2x10240x128xf32, #tpu.memory_space<hbm>> -> memref<1x640x128xf32, #tpu.memory_space<hbm>>
      %dma_start3A_106 = tpu.memref_squeeze %dma_start3A_105 : memref<1x640x128xf32, #tpu.memory_space<hbm>> -> memref<640x128xf32, #tpu.memory_space<hbm>>
      %dma_start3A_107 = arith.constant 0 : i32
      %dma_start3A_108 = tpu.memref_slice %arg9[%mul3A_101, %dma_start3A_107] : memref<10240x128xf32, #tpu.memory_space<vmem_shared>> -> memref<640x128xf32, #tpu.memory_space<vmem_shared>>
      tpu.enqueue_dma source(%dma_start3A_108 : memref<640x128xf32, #tpu.memory_space<vmem_shared>>) target(%dma_start3A_106 : memref<640x128xf32, #tpu.memory_space<hbm>>) target_semaphore(%run_scoped3A : memref<!tpu.dma_semaphore, #tpu.memory_space<semaphore_mem>>)
      %dma_wait3A_109 = arith.constant 0 : i32
      %dma_wait3A_110 = tpu.memref_slice %arg4[%arg0, %mul3A_103, %dma_wait3A_109] : memref<2x10240x128xf32, #tpu.memory_space<hbm>> -> memref<1x640x128xf32, #tpu.memory_space<hbm>>
      %dma_wait3A_111 = tpu.memref_squeeze %dma_wait3A_110 : memref<1x640x128xf32, #tpu.memory_space<hbm>> -> memref<640x128xf32, #tpu.memory_space<hbm>>
      %dma_wait3A_112 = arith.constant 0 : i32
      %dma_wait3A_113 = tpu.memref_slice %arg9[%mul3A_101, %dma_wait3A_112] : memref<10240x128xf32, #tpu.memory_space<vmem_shared>> -> memref<640x128xf32, #tpu.memory_space<vmem_shared>>
      tpu.wait_dma2 semaphore(%run_scoped3A : memref<!tpu.dma_semaphore, #tpu.memory_space<semaphore_mem>>) src(%dma_wait3A_113 : memref<640x128xf32, #tpu.memory_space<vmem_shared>>) dst(%dma_wait3A_111 : memref<640x128xf32, #tpu.memory_space<hbm>>)
      tpu.yield
    }) : () -> ()
    return
  }
}

module attributes {stable_mosaic.version = 14 : i64} {
  func.func @_mlp_body(%arg0: memref<10000x128xf32, #tpu.memory_space<vmem>>, %arg1: memref<2x10240x128xf32, #tpu.memory_space<vmem>>, %arg2: memref<1x1xf32, #tpu.memory_space<vmem>>, %arg3: memref<128x256xf32, #tpu.memory_space<vmem>>, %arg4: memref<1x256xf32, #tpu.memory_space<vmem>>, %arg5: memref<1x256xf32, #tpu.memory_space<vmem>>, %arg6: memref<1x256xf32, #tpu.memory_space<vmem>>, %arg7: memref<256x128xf32, #tpu.memory_space<vmem>>, %arg8: memref<1x128xf32, #tpu.memory_space<vmem>>, %arg9: memref<10000x128xf32, #tpu.memory_space<vmem>>) attributes {dimension_semantics = [], scalar_prefetch = 0 : i64, scratch_operands = 0 : i64, tpu.core_type = #tpu.core_type<tc>} {
    %get3A = arith.constant 0 : index
    %get3A_0 = arith.constant 0 : index
    %get3A_1 = arith.constant 0 : index
    %get3A_2 = vector.load %arg1[%get3A, %get3A_0, %get3A_1] : memref<2x10240x128xf32, #tpu.memory_space<vmem>>, vector<1x10000x128xf32>
    %get3A_3 = vector.shape_cast %get3A_2 : vector<1x10000x128xf32> to vector<10000x128xf32>
    %get3A_4 = arith.constant 1 : index
    %get3A_5 = arith.constant 0 : index
    %get3A_6 = arith.constant 0 : index
    %get3A_7 = vector.load %arg1[%get3A_4, %get3A_5, %get3A_6] : memref<2x10240x128xf32, #tpu.memory_space<vmem>>, vector<1x10000x128xf32>
    %get3A_8 = vector.shape_cast %get3A_7 : vector<1x10000x128xf32> to vector<10000x128xf32>
    %add3A = arith.addf %get3A_3, %get3A_8 : vector<10000x128xf32>
    %get3A_9 = arith.constant 0 : index
    %get3A_10 = arith.constant 0 : index
    %get3A_11 = vector.load %arg2[%get3A_9, %get3A_10] : memref<1x1xf32, #tpu.memory_space<vmem>>, vector<1x1xf32>
    %get3A_12 = vector.extract %get3A_11[0, 0] : f32 from vector<1x1xf32>
    %add3A_13 = arith.constant 1.000000e+00 : f32
    %add3A_14 = arith.addf %add3A_13, %get3A_12 : f32
    %get3A_15 = arith.constant 0 : index
    %get3A_16 = arith.constant 0 : index
    %get3A_17 = vector.load %arg0[%get3A_15, %get3A_16] : memref<10000x128xf32, #tpu.memory_space<vmem>>, vector<10000x128xf32>
    %mul3A = vector.broadcast %add3A_14 : f32 to vector<10000x128xf32>
    %mul3A_18 = arith.mulf %mul3A, %get3A_17 : vector<10000x128xf32>
    %add3A_19 = arith.addf %mul3A_18, %add3A : vector<10000x128xf32>
    %get3A_20 = arith.constant 0 : index
    %get3A_21 = arith.constant 0 : index
    %get3A_22 = vector.load %arg3[%get3A_20, %get3A_21] : memref<128x256xf32, #tpu.memory_space<vmem>>, vector<128x256xf32>
    %dot_general3A = arith.constant dense<0.000000e+00> : vector<10000x256xf32>
    %dot_general3A_23 = tpu.matmul %add3A_19, %get3A_22, %dot_general3A {dimension_numbers = #tpu.dot_dimension_numbers<[1], [0], [0], [1], [0, 0, 1, 1], [], []>, transpose_lhs_hint = false} : vector<10000x128xf32>, vector<128x256xf32>, vector<10000x256xf32> -> vector<10000x256xf32>
    %get3A_24 = arith.constant 0 : index
    %get3A_25 = arith.constant 0 : index
    %get3A_26 = vector.load %arg4[%get3A_24, %get3A_25] : memref<1x256xf32, #tpu.memory_space<vmem>>, vector<1x256xf32>
    %add3A_27 = vector.broadcast %get3A_26 : vector<1x256xf32> to vector<10000x256xf32>
    %add3A_28 = arith.addf %dot_general3A_23, %add3A_27 : vector<10000x256xf32>
    %reduce_sum3A = arith.constant dense<0.000000e+00> : vector<256xf32>
    %reduce_sum3A_29 = vector.multi_reduction <add>, %add3A_28, %reduce_sum3A [0] : vector<10000x256xf32> to vector<256xf32>
    %broadcast_in_dim3A = vector.shape_cast %reduce_sum3A_29 : vector<256xf32> to vector<1x256xf32>
    %div3A = arith.constant 1.000000e+04 : f32
    %div3A_30 = vector.broadcast %div3A : f32 to vector<1x256xf32>
    %div3A_31 = arith.divf %broadcast_in_dim3A, %div3A_30 : vector<1x256xf32>
    %sub3A = vector.broadcast %div3A_31 : vector<1x256xf32> to vector<10000x256xf32>
    %sub3A_32 = arith.subf %add3A_28, %sub3A : vector<10000x256xf32>
    %square3A = arith.mulf %sub3A_32, %sub3A_32 : vector<10000x256xf32>
    %reduce_sum3A_33 = arith.constant dense<0.000000e+00> : vector<256xf32>
    %reduce_sum3A_34 = vector.multi_reduction <add>, %square3A, %reduce_sum3A_33 [0] : vector<10000x256xf32> to vector<256xf32>
    %broadcast_in_dim3A_35 = vector.shape_cast %reduce_sum3A_34 : vector<256xf32> to vector<1x256xf32>
    %div3A_36 = arith.constant 1.000000e+04 : f32
    %div3A_37 = vector.broadcast %div3A_36 : f32 to vector<1x256xf32>
    %div3A_38 = arith.divf %broadcast_in_dim3A_35, %div3A_37 : vector<1x256xf32>
    %sub3A_39 = vector.broadcast %div3A_31 : vector<1x256xf32> to vector<10000x256xf32>
    %sub3A_40 = arith.subf %add3A_28, %sub3A_39 : vector<10000x256xf32>
    %add3A_41 = arith.constant 9.99999974E-6 : f32
    %add3A_42 = vector.broadcast %add3A_41 : f32 to vector<1x256xf32>
    %add3A_43 = arith.addf %div3A_38, %add3A_42 : vector<1x256xf32>
    %rsqrt3A = math.rsqrt %add3A_43 : vector<1x256xf32>
    %mul3A_44 = vector.broadcast %rsqrt3A : vector<1x256xf32> to vector<10000x256xf32>
    %mul3A_45 = arith.mulf %sub3A_40, %mul3A_44 : vector<10000x256xf32>
    %get3A_46 = arith.constant 0 : index
    %get3A_47 = arith.constant 0 : index
    %get3A_48 = vector.load %arg5[%get3A_46, %get3A_47] : memref<1x256xf32, #tpu.memory_space<vmem>>, vector<1x256xf32>
    %mul3A_49 = vector.broadcast %get3A_48 : vector<1x256xf32> to vector<10000x256xf32>
    %mul3A_50 = arith.mulf %mul3A_45, %mul3A_49 : vector<10000x256xf32>
    %get3A_51 = arith.constant 0 : index
    %get3A_52 = arith.constant 0 : index
    %get3A_53 = vector.load %arg6[%get3A_51, %get3A_52] : memref<1x256xf32, #tpu.memory_space<vmem>>, vector<1x256xf32>
    %add3A_54 = vector.broadcast %get3A_53 : vector<1x256xf32> to vector<10000x256xf32>
    %add3A_55 = arith.addf %mul3A_50, %add3A_54 : vector<10000x256xf32>
    %max3A = arith.constant 0.000000e+00 : f32
    %max3A_56 = vector.broadcast %max3A : f32 to vector<10000x256xf32>
    %max3A_57 = arith.maximumf %add3A_55, %max3A_56 : vector<10000x256xf32>
    %get3A_58 = arith.constant 0 : index
    %get3A_59 = arith.constant 0 : index
    %get3A_60 = vector.load %arg7[%get3A_58, %get3A_59] : memref<256x128xf32, #tpu.memory_space<vmem>>, vector<256x128xf32>
    %dot_general3A_61 = arith.constant dense<0.000000e+00> : vector<10000x128xf32>
    %dot_general3A_62 = tpu.matmul %max3A_57, %get3A_60, %dot_general3A_61 {dimension_numbers = #tpu.dot_dimension_numbers<[1], [0], [0], [1], [0, 0, 1, 1], [], []>, transpose_lhs_hint = false} : vector<10000x256xf32>, vector<256x128xf32>, vector<10000x128xf32> -> vector<10000x128xf32>
    %get3A_63 = arith.constant 0 : index
    %get3A_64 = arith.constant 0 : index
    %get3A_65 = vector.load %arg8[%get3A_63, %get3A_64] : memref<1x128xf32, #tpu.memory_space<vmem>>, vector<1x128xf32>
    %add3A_66 = vector.broadcast %get3A_65 : vector<1x128xf32> to vector<10000x128xf32>
    %add3A_67 = arith.addf %dot_general3A_62, %add3A_66 : vector<10000x128xf32>
    %swap3A = arith.constant 0 : index
    %swap3A_68 = arith.constant 0 : index
    %swap3A_69 = vector.load %arg9[%swap3A, %swap3A_68] : memref<10000x128xf32, #tpu.memory_space<vmem>>, vector<10000x128xf32>
    tpu.vector_store %arg9[%swap3A, %swap3A_68], %add3A_67 {strides = array<i32>} : memref<10000x128xf32, #tpu.memory_space<vmem>>, vector<10000x128xf32>,
    return
  }
}

</mosaic_0001>

<sc_bundles>
// kernel: kernel.4.cloned.1.call-start
scs
__scs_entry_jumppad:
0x0: {  	(pc) =	sbr.rel $0x88, $3  }
0x1: {  	(tag) =	ssettag $0x0;
	lr =	simm.s32 $0x1  }
0x2: {  	[smem:$0x3F98] =	sst lr;
	_ =	strace $0xD0000000  }
0x3: {  	_ = 	snop  }
0x4: {  	_ = 	snop  }
0x5: {  	_ = 	snop  }
0x6: {  	_ = 	snop  }
0x7: {  	_ = 	snop  }
__scs_overlays_trampoline_lowered:
0x8: {  	[smem:$0x3FA7] =	sst s0  }
0x9: {  	[smem:$0x3FA8] =	sst s1  }
0xa: {  	[smem:$0x3FA9] =	sst s2  }
0xb: {  	[smem:$0x3FAA] =	sst s3  }
0xc: {  	[smem:$0x3FAB] =	sst s4  }
0xd: {  	[smem:$0x3FAC] =	sst s5  }
0xe: {  	[smem:$0x3FAD] =	sst s6  }
0xf: {  	[smem:$0x3FAE] =	sst s7  }
0x10: {  	[smem:$0x3FAF] =	sst s8  }
0x11: {  	[smem:$0x3FB0] =	sst s9;
	s0 =	simm.s32 @!p0 $0x0  }
0x12: {  	s1 =	sld [smem:$0x3F96];
	s0 =	simm.s32 @p0 $0x1  }
0x13: {  	[smem:$0x3FB1] =	sst s0;
	s0 =	simm.s32 @!p1 $0x0  }
0x14: {  	s2 =	sld [smem:$0x3F95];
	s0 =	simm.s32 @p1 $0x1  }
0x15: {  	[smem:$0x3FB2] =	sst s0;
	s0 =	simm.s32 @!p2 $0x0  }
0x16: {  	s3 =	sld [smem:$0x3FDB];
	s0 =	simm.s32 @p2 $0x1  }
0x17: {  	s4 =	simm.s32 $0x1BF5;
	[smem:$0x3FB4] =	sst s0  }
0x18: {  	s0 =	sld [smem:$0x3F97];
	_ =	swait.ge [sflag:s4], $0x0  }
0x19: {  	s7 =	sld [smem:$0x3F98]  }
0x1a: {  	s8 =	sadd.s32 $0xFFFFE003, lr  }
0x1b: {  	s9 =	sadd.s32 $0xFFFFFEF7, lr;
	s5 =	simm.s32 $0xFFFFFFFF;
	p2 =	slt.u32 s8, $0xFFFFF086  }
0x1c: {  	p1 =	slt.u32 s9, $0xF7A;
	s5 =	simm.s32 @!p2 $0x0  }
0x1d: {  	s5 =	simm.s32 @p1 $0x1;
	p0 =	seq.s32 s7, s2  }
0x1e: {  	s7 =	smul.u32 @!p0 $0xF7A, s2;
	p2 =	seq.s32 @!p0 s5, $0x0  }
0x1f: {  	s9 =	smul.u32 $0xF7A, s1;
	s8 =	simm.s32 @!p0 $0x1BF5;
	p2 =	por !p2, p0  }
0x20: {  	[sflag:s8] =	ssyncset.s32 @!p0 $0xFFFFF086;
	s6 =	sadd.s32 @!p0 s3, s7;
	s7 =	simm.s32 @!p0 $0x108  }
0x21: {  	s3 =	sadd.s32 s3, s9;
	s6 =	sadd.s32 @!p0 $0x88, s6;
	s7 =	simm.s32 @p2 $0x1082  }
0x22: {  	[simem:s7], [sflag:s8] =	dma.local @!p0 [hbm:s6], $0xF7A  }
0x23: {  	s9 =	sor.u32 $0xD0000000, s2;
	s6 =	simm.s32 $0x108;
	_ =	swait.ge @!p0 [sflag:s8], $0x0  }
0x24: {  	s3 =	sadd.s32 $0x88, s3;
	s6 =	simm.s32 @!p1 $0x1082;
	[sflag:s4] =	ssyncset.s32 $0xFFFFF086  }
0x25: {  	[simem:s6], [sflag:s4] =	dma.local [hbm:s3], $0xF7A  }
0x26: {  	[smem:$0x3F98] =	sst s1;
	(tag) =	ssettag s2;
	_ =	strace s9  }
0x27: {  	s1 =	sld [smem:$0x3FA8]  }
0x28: {  	s2 =	sld [smem:$0x3FA9]  }
0x29: {  	s4 =	sld [smem:$0x3FAB]  }
0x2a: {  	p0 =	seq.s32 s5, $0x0;
	s5 =	sld [smem:$0x3FAC]  }
0x2b: {  	s6 =	sld [smem:$0x3FAD]  }
0x2c: {  	s7 =	sld [smem:$0x3FAE]  }
0x2d: {  	s3 =	simm.s32 $0x108;
	s8 =	sld [smem:$0x3FAF]  }
0x2e: {  	s3 =	simm.s32 @!p0 $0x1082;
	s9 =	sld [smem:$0x3FB0]  }
0x2f: {  	lr =	sadd.s32 s0, s3;
	s0 =	sld [smem:$0x3FA7]  }
0x30: {  	s3 =	sld [smem:$0x3FAA]  }
0x31: {  	[smem:$0x3FB3] =	sst s10  }
0x32: {  	s10 =	sld [smem:$0x3FB1];
	_ =	sdelay $0x3  }
0x33: {  	p0 =	seq.s32 s10, $0x1;
	s10 =	sld [smem:$0x3FB3];
	_ =	sdelay $0x3  }
0x34: {  	[smem:$0x3FB3] =	sst s10  }
0x35: {  	s10 =	sld [smem:$0x3FB2];
	_ =	sdelay $0x3  }
0x36: {  	p1 =	seq.s32 s10, $0x1;
	s10 =	sld [smem:$0x3FB3];
	_ =	sdelay $0x3  }
0x37: {  	[smem:$0x3FB3] =	sst s10  }
0x38: {  	s10 =	sld [smem:$0x3FB4]  }
0x39: {  	_ = 	snop;
	(pc) =	sbr.ind lr, $3  }
0x3a: {  	_ = 	snop  }
0x3b: {  	_ = 	snop  }
0x3c: {  	p2 =	seq.s32 s10, $0x1;
	s10 =	sld [smem:$0x3FB3]  }
0x3d: {  	_ =	shalt  }
0x3e: {  	_ =	shalt  }
0x3f: {  	_ =	shalt  }
0x40: {  	_ =	shalt  }
0x41: {  	_ =	shalt  }
0x42: {  	_ =	shalt  }
0x43: {  	_ =	shalt  }
0x44: {  	_ =	shalt  }
0x45: {  	_ =	shalt  }
0x46: {  	_ =	shalt  }
0x47: {  	_ =	shalt  }
0x48: {  	_ =	shalt  }
0x49: {  	_ =	shalt  }
0x4a: {  	_ =	shalt  }
0x4b: {  	_ =	shalt  }
0x4c: {  	_ =	shalt  }
0x4d: {  	_ =	shalt  }
0x4e: {  	_ =	shalt  }
0x4f: {  	_ =	shalt  }
0x50: {  	_ =	shalt  }
0x51: {  	_ =	shalt  }
0x52: {  	_ =	shalt  }
0x53: {  	_ =	shalt  }
0x54: {  	_ =	shalt  }
0x55: {  	_ =	shalt  }
0x56: {  	_ =	shalt  }
0x57: {  	_ =	shalt  }
0x58: {  	_ =	shalt  }
0x59: {  	_ =	shalt  }
0x5a: {  	_ =	shalt  }
0x5b: {  	_ =	shalt  }
0x5c: {  	_ =	shalt  }
0x5d: {  	_ =	shalt  }
0x5e: {  	_ =	shalt  }
0x5f: {  	_ =	shalt  }
0x60: {  	_ =	shalt  }
0x61: {  	_ =	shalt  }
0x62: {  	_ =	shalt  }
0x63: {  	_ =	shalt  }
0x64: {  	_ =	shalt  }
0x65: {  	_ =	shalt  }
0x66: {  	_ =	shalt  }
0x67: {  	_ =	shalt  }
0x68: {  	_ =	shalt  }
0x69: {  	_ =	shalt  }
0x6a: {  	_ =	shalt  }
0x6b: {  	_ =	shalt  }
0x6c: {  	_ =	shalt  }
0x6d: {  	_ =	shalt  }
0x6e: {  	_ =	shalt  }
0x6f: {  	_ =	shalt  }
0x70: {  	_ =	shalt  }
0x71: {  	_ =	shalt  }
0x72: {  	_ =	shalt  }
0x73: {  	_ =	shalt  }
0x74: {  	_ =	shalt  }
0x75: {  	_ =	shalt  }
0x76: {  	_ =	shalt  }
0x77: {  	_ =	shalt  }
0x78: {  	_ =	shalt  }
0x79: {  	_ =	shalt  }
0x7a: {  	_ =	shalt  }
0x7b: {  	_ =	shalt  }
0x7c: {  	_ =	shalt  }
0x7d: {  	_ =	shalt  }
0x7e: {  	_ =	shalt  }
0x7f: {  	_ =	shalt  }
0x80: {  	_ =	shalt  }
0x81: {  	_ =	shalt  }
0x82: {  	_ =	shalt  }
0x83: {  	_ =	shalt  }
0x84: {  	_ =	shalt  }
0x85: {  	_ =	shalt  }
0x86: {  	_ =	shalt  }
0x87: {  	_ =	shalt  }
.Lfunc_end0:
.L_simem_size_0:
called_computation_lowered:
.L_overlay_start_0:
0x88: {  	s2 =	sld [smem:$0x3FD9]  }
0x89: {  	s3 =	sld [smem:$0x3FFE];
	_ =	sdelay $0x1  }
0x8a: {  	s1 =	srdreg.scid  }
0x8b: {  	s0 =	sand.u32 $0x1, s1  }
0x8c: {  	s17 =	sshll.u32 s0, $0xA;
	s2 =	sadd.s32 s3, s2  }
0x8d: {  	s2 =	sadd.s32 s2, s17  }
0x8e: {  	[smem:$0x3FBF] =	sst s2  }
0x8f: {  	_ = 	snop  }
0x90: {  	s2 =	sld [smem:$0x3FC9];
	(tm) =	ssettm $0x1  }
0x91: {  	s18 =	sld [smem:$0x3FFB];
	_ =	sdelay $0x3  }
0x92: {  	_ =	strace s18  }
0x93: {  	s3 =	sld [smem:$0x3FFC];
	_ =	sdelay $0x3  }
0x94: {  	_ =	strace s3  }
0x95: {  	s3 =	sld [smem:$0x3FFD];
	_ =	sdelay $0x3  }
0x96: {  	_ =	strace s3  }
0x97: {  	_ =	strace $0x8FFFFFFF  }
0x98: {  	s19 =	sld [smem:$0x3FDB];
	_ =	sdelay $0x1  }
0x99: {  	s4 =	simm.s32 $_scs_section_size  }
0x9a: {  	s5 =	simm.s32 $_size__tile_overlayer_lowered;
	s6 =	simm.s32 $_tile_overlayer_lowered  }
0x9b: {  	s22 =	simm.s32 $0x1BFF;
	s21 =	sshll.u32 s6, $0x1;
	s3 =	sadd.s32 s4, s19  }
0x9c: {  	s7 =	simm.s32 $0x0;
	s20 =	sshll.u32 s5, $0x1;
	s5 =	sadd.s32 s21, s3  }
0x9d: {  	[timem:s7], [sflag:s22] =	dma.local [hbm:s5], s20  }
0x9e: {  	_ =	swait.ge [sflag:s22], s20  }
0x9f: {  	s4 =	ssub.s32 $0x0, s20;
	[sflag:s22] =	ssyncset.done $0x0  }
0xa0: {  	[sflag:s22] =	ssyncadd.s32 s4;
	_ =	sdelay $0x1  }
0xa1: {  	s23 =	simm.s32 $0x1B8B  }
0xa2: {  	_ =	swait.ge [sflag:s23], $0x1  }
0xa3: {  	[sflag:s23] =	ssyncset.done $0x0  }
0xa4: {  	s25 =	simm.s32 $0x1B8E;
	s24 =	sld [smem:$0x3FFE];
	[sflag:s23] =	ssyncadd.s32 $0xFFFFFFFF  }
0xa5: {  	s26 =	simm.s32 $execute0_lowered;
	[smem:$0x3FD2] =	sst s25  }
0xa6: {  	s5 =	sshll.u32 s26, $0x1;
	_ =	strace $0x80000046;
	[dreg:$0x1] =	wrdreg $0xFFFFFFFF  }
0xa7: {  	s28 =	simm.s32 $_size_execute0_lowered;
	s3 =	sadd.s32 s3, s5;
	[dreg:$0x0] =	wrdreg $0x0  }
0xa8: {  	s5 =	sshll.u32 s28, $0x1;
	[dreg:$0x2] =	wrdreg s3  }
0xa9: {  	[dreg:$0x3] =	wrdreg s5  }
0xaa: {  	[dreg:$0x4] =	wrdreg $0xC0  }
0xab: {  	_ =	task [dreg:s7], $0x5FFFF  }
0xac: {  	[dreg:$0x1] =	wrdreg $0xFFFFFFFF  }
0xad: {  	[dreg:$0x0] =	wrdreg $0x60  }
0xae: {  	[dreg:$0x2] =	wrdreg s2  }
0xaf: {  	[dreg:$0x3] =	wrdreg s24  }
0xb0: {  	[dreg:$0x4] =	wrdreg $0x90000  }
0xb1: {  	[dreg:$0x5] =	wrdreg $0x9  }
0xb2: {  	_ =	task.clear_ibuf [dreg:s7], $0x6FFFF;
	_ =	strace $0x90000046  }
0xb3: {  	s29 =	simm.s32 $0x9;
	_ =	strace $0x80000048  }
0xb4: {  	_ =	swait.ge [sflag:s29], $0x1  }
0xb5: {  	[sflag:s29] =	ssyncadd.s32 $0xFFFFFFFF  }
0xb6: {  	_ =	strace $0x90000048  }
0xb7: {  	_ =	sfence  }
0xb8: {  	s30 =	sld [smem:$0x0];
	_ =	sdelay $0x2  }
0xb9: {  	s31 =	sshll.u32 s1, $0xD;
	s1 =	sshrl.u32 s1, $0x2  }
0xba: {  	s3 =	sand.u32 $0x4000, s31;
	s1 =	sadd.s32 s1, s30  }
0xbb: {  	s0 =	sor.u32 s3, s0;
	s1 =	sshll.u32 s1, $0x11  }
0xbc: {  	s0 =	sor.u32 s1, s0  }
0xbd: {  	s0 =	sadd.s32 $0x8F2B, s0  }
0xbe: {  	[sflag:s0] =	ssyncadd.remote.s32 $0x1  }
0xbf: {  	_ =	sfence.sel $0xFFFF  }
0xc0: {  	[dreg:$0x0] =	wrdreg $0xFFFFFFFF;
	(pc) =	sbr.abs _section_cstart, $3  }
0xc1: {  	[dreg:$0x1] =	wrdreg $0xFFFFFFFF  }
0xc2: {  	_ =	task.clear_ibuf [dreg:s7], $0x2FFFF;
	_ =	strace $0x9FFFFFFF  }
0xc3: {  	(tm) =	ssettm $0x7FFFFFFF  }
tec
execute0_lowered:
.L_overlay_start_1:
0x0: {  	(tag) =	ssettag $0x1  }
0x1: {  	s1 =	rddreg [dreg:$0x0]  }
0x2: {  	s0 =	srdreg.scid;
	s2 =	rddreg [dreg:$0x1]  }
0x3: {  	s7 =	stileid.u32;
	s3 =	rddreg [dreg:$0x2]  }
0x4: {  	s8 =	simm.s32 $0x0;
	s20 =	simm.s32 $0x4000;
	s21 =	simm.s32 $0x4  }
0x5: {  	s22 =	simm.s32 $0x1;
	s23 =	simm.s32 $0x50;
	s24 =	simm.s32 $0x6800  }
0x6: {  	s28 =	simm.s32 $0x3;
	s29 =	simm.s32 $0x0;
	s5 =	smul.u32 $0x14000, s7  }
0x7: {  	s0 =	sand.u32 $0x1, s0;
	s6 =	sshll.u32 s7, $0x1;
	s9 =	smul.u32 $0x50000, s7  }
0x8: {  	[smem:$0x7FF] =	sst s8;
	s4 =	smul.u32 $0x140000, s0;
	s6 =	sor.u32 s0, s6  }
0x9: {  	_ =	strace $0x80000047;
	s0 =	ssub.s32 $0x2, s0;
	s25 =	smul.u32 $0x5000, s6  }
0xa: {  	s26 =	sshrl.u32 s0, $0x1;
	s31 =	sshrl.u32 s9, $0x2;
	s4 =	sadd.s32 s5, s4  }
0xb: {  	s5 =	sadd.s32 $0x1A00, s2;
	s0 =	ssub.s32 s0, s26;
	s10 =	sadd.s32 s31, s3  }
0xc: {  	s26 =	simm.s32 $0x5;
	s4 =	sshrl.u32 s4, $0x3;
	s6 =	sshrl.u32 s25, $0x3  }
0xd: {  	s8 =	sadd.s32 $0x1000, s25;
	s0 =	smax.u32 s0, $0x1;
	s12 =	sadd.s32 $0x2800, s10  }
.Ltmp0:
0xe: {  	s13 =	sadd.s32 $0x5000, s10;
	s14 =	sadd.s32 $0x7800, s10;
	(pc) =	sbr.rel .LBB2_1-.Ltmp0, $4  }
0xf: {  	s15 =	sadd.s32 $0xA000, s10;
	s16 =	sadd.s32 $0xC800, s10;
	s6 =	sadd.s32 s5, s6  }
0x10: {  	s2 =	sadd.s32 s4, s2;
	[dreg:$0x6] =	wrdreg s0;
	s30 =	sadd.s32 $0x14000, s6  }
0x11: {  	s17 =	sadd.s32 $0xF000, s10;
	s2 =	sadd.s32 $0x29A00, s2;
	[dreg:$0x4] =	wrdreg s30  }
0x12: {  	v0 =	vimm.f32 $0.0e+00;
	s18 =	sadd.s32 $0x11800, s10;
	s25 =	simm.s32 $0x2;
	[dreg:$0x5] =	wrdreg s2  }
.LBB2_8:
0x13: {  	s0 =	stileid.u32  }
0x14: {  	[bflag:$0x0] =	sbarrier.arrive $0xFFFF;
	s0 =	sshll.u32 s0, $0x6  }
0x15: {  	s2 =	sshrl.u32 s10, $0x3;
	s4 =	rddreg [dreg:$0x5];
	s0 =	sor.u32 $0x1C05, s0  }
0x16: {  	[hbm:s4], [sflag:s0] =	dma.local [spmem:s2], $0x2800  }
0x17: {  	_ =	swait.ge [sflag:s26], $0x2800  }
0x18: {  	s29 =	sadd.s32 $0x1, s29;
	s31 =	rddreg [dreg:$0x6]  }
0x19: {  	p0 =	sne.s32 s29, s31  }
.Ltmp1:
0x1a: {  	_ = 	snop;
	(pc) =	sbr.rel @!p0 .LBB2_9-.Ltmp1, $3  }
0x1b: {  	_ =	sdelay $0x1  }
0x1c: {  	[sflag:s26] =	ssyncset.done $0x0  }
0x1d: {  	[sflag:s26] =	ssyncadd.s32 $0xFFFFD800  }
.LBB2_1:
0x1e: {  	s0 =	simm.s32 $0x0  }
0x1f: {  	[tilespmem:s0], [sflag:$0x1] =	stream.linear.gather [hbm4b:s6+s0], $0xC80, $0x38;
	[tilespmem:$0x1D000] =	vst v63  }
0x20: {  	s2 =	rddreg [dreg:$0x4];
	s4 =	simm.s32 $0x2000  }
0x21: {  	[tilespmem:s4], [sflag:$0x1] =	stream.linear.gather [hbm4b:s2+s0], $0xC80, $0x38;
	[tilespmem:$0x1D000] =	vst v63  }
0x22: {  	s0 =	simm.s32 $0x0;
	s2 =	simm.s32 $0x200  }
.LBB2_2:
0x23: {  	p0 =	sne.s32 s2, $0x9E00;
	[tilespmem:s0+$0x4070] =	vst v0  }
0x24: {  	[tilespmem:s0+$0x4000] =	vst v0  }
0x25: {  	[tilespmem:s0+$0x4010] =	vst v0  }
.Ltmp2:
0x26: {  	[tilespmem:s0+$0x4020] =	vst v0;
	(pc) =	sbr.rel @p0 .LBB2_2-.Ltmp2, $4  }
0x27: {  	[tilespmem:s0+$0x4030] =	vst v0  }
0x28: {  	[tilespmem:s0+$0x4040] =	vst v0  }
0x29: {  	[tilespmem:s0+$0x4050] =	vst v0  }
0x2a: {  	[tilespmem:s0+$0x4060] =	vst v0;
	s0 =	sshra.s32 s2, $0x2;
	s2 =	sadd.s32 $0x200, s2  }
0x2b: {  	[tilespmem:s0+$0x4070] =	vst v0  }
0x2c: {  	[tilespmem:s0+$0x4000] =	vst v0  }
0x2d: {  	[tilespmem:s0+$0x4010] =	vst v0  }
0x2e: {  	[tilespmem:s0+$0x4020] =	vst v0  }
0x2f: {  	[tilespmem:s0+$0x4030] =	vst v0  }
0x30: {  	[tilespmem:s0+$0x4040] =	vst v0  }
0x31: {  	[tilespmem:s0+$0x4050] =	vst v0  }
0x32: {  	[tilespmem:s0+$0x4060] =	vst v0  }
0x33: {  	[spmem:s10] =	stream.linear.scatter [tilespmem:s20], [sflag:$0x4], $0x2800, $0x38;
	[tilespmem:$0x1D000] =	vst v63  }
0x34: {  	_ = 	snop  }
0x35: {  	[spmem:s12] =	stream.linear.scatter [tilespmem:s20], [sflag:$0x4], $0x2800, $0x38;
	[tilespmem:$0x1D000] =	vst v63  }
0x36: {  	_ = 	snop  }
0x37: {  	[spmem:s13] =	stream.linear.scatter [tilespmem:s20], [sflag:$0x4], $0x2800, $0x38;
	[tilespmem:$0x1D000] =	vst v63  }
0x38: {  	_ = 	snop  }
0x39: {  	[spmem:s14] =	stream.linear.scatter [tilespmem:s20], [sflag:$0x4], $0x2800, $0x38;
	[tilespmem:$0x1D000] =	vst v63  }
0x3a: {  	_ = 	snop  }
0x3b: {  	[spmem:s15] =	stream.linear.scatter [tilespmem:s20], [sflag:$0x4], $0x2800, $0x38;
	[tilespmem:$0x1D000] =	vst v63  }
0x3c: {  	_ = 	snop  }
0x3d: {  	[spmem:s16] =	stream.linear.scatter [tilespmem:s20], [sflag:$0x4], $0x2800, $0x38;
	[tilespmem:$0x1D000] =	vst v63  }
0x3e: {  	_ = 	snop  }
0x3f: {  	[spmem:s17] =	stream.linear.scatter [tilespmem:s20], [sflag:$0x4], $0x2800, $0x38;
	[tilespmem:$0x1D000] =	vst v63  }
0x40: {  	_ = 	snop  }
0x41: {  	[spmem:s18] =	stream.linear.scatter [tilespmem:s20], [sflag:$0x4], $0x2800, $0x38;
	[tilespmem:$0x1D000] =	vst v63  }
0x42: {  	_ =	swait.ge [sflag:s21], $0x2800  }
0x43: {  	[sflag:s21] =	ssyncset.done $0x0  }
0x44: {  	[sflag:s21] =	ssyncadd.s32 $0xFFFFD800  }
0x45: {  	_ =	swait.ge [sflag:s21], $0x2800  }
0x46: {  	[sflag:s21] =	ssyncset.done $0x0  }
0x47: {  	[sflag:s21] =	ssyncadd.s32 $0xFFFFD800  }
0x48: {  	_ =	swait.ge [sflag:s21], $0x2800  }
0x49: {  	[sflag:s21] =	ssyncset.done $0x0  }
0x4a: {  	[sflag:s21] =	ssyncadd.s32 $0xFFFFD800  }
0x4b: {  	_ =	swait.ge [sflag:s21], $0x2800  }
0x4c: {  	[sflag:s21] =	ssyncset.done $0x0  }
0x4d: {  	[sflag:s21] =	ssyncadd.s32 $0xFFFFD800  }
0x4e: {  	_ =	swait.ge [sflag:s21], $0x2800  }
0x4f: {  	[sflag:s21] =	ssyncset.done $0x0  }
0x50: {  	[sflag:s21] =	ssyncadd.s32 $0xFFFFD800  }
0x51: {  	_ =	swait.ge [sflag:s21], $0x2800  }
0x52: {  	[sflag:s21] =	ssyncset.done $0x0  }
0x53: {  	[sflag:s21] =	ssyncadd.s32 $0xFFFFD800  }
0x54: {  	_ =	swait.ge [sflag:s21], $0x2800  }
0x55: {  	[sflag:s21] =	ssyncset.done $0x0  }
0x56: {  	[sflag:s21] =	ssyncadd.s32 $0xFFFFD800  }
0x57: {  	_ =	swait.ge [sflag:s21], $0x2800  }
0x58: {  	[sflag:s21] =	ssyncset.done $0x0  }
0x59: {  	[sflag:s21] =	ssyncadd.s32 $0xFFFFD800  }
0x5a: {  	_ =	swait.ge [sflag:s22], $0xC80  }
0x5b: {  	[sflag:s22] =	ssyncset.done $0x0  }
0x5c: {  	[sflag:s22] =	ssyncadd.s32 $0xFFFFF380  }
0x5d: {  	_ =	swait.ge [sflag:s22], $0xC80  }
0x5e: {  	[sflag:s22] =	ssyncset.done $0x0  }
0x5f: {  	[sflag:s22] =	ssyncadd.s32 $0xFFFFF380  }
0x60: {  	s30 =	simm.s32 $0x0;
	[bflag:$0x0] =	sbarrier.arrive $0xFFFF  }
.LBB2_4:
0x61: {  	p0 =	seq.s32 s30, $0x4  }
0x62: {  	s0 =	sshll.u32 @!p0 s30, $0xC  }
0x63: {  	s2 =	sadd.s32 @!p0 s0, s8  }
0x64: {  	s31 =	sand.u32 @!p0 $0x1000, s0;
	s0 =	sshrl.u32 @!p0 s2, $0x3  }
0x65: {  	s4 =	simm.s32 @!p0 $0x0;
	s2 =	sxor.u32 @!p0 $0x1000, s31;
	s0 =	sadd.s32 @!p0 s5, s0  }
0x66: {  	[tilespmem:s2], [sflag:$0x1] =	stream.linear.gather @!p0 [hbm4b:s0+s4], $0xC80, $0x38;
	[tilespmem:$0x1D000] =	vst v63  }
0x67: {  	s2 =	sxor.u32 @!p0 $0x3000, s31;
	s0 =	sadd.s32 @!p0 $0x14000, s0;
	s31 =	simm.s32 @p0 $0x0  }
0x68: {  	[tilespmem:s2], [sflag:$0x1] =	stream.linear.gather @!p0 [hbm4b:s0+s4], $0xC80, $0x38;
	[tilespmem:$0x1D000] =	vst v63  }
0x69: {  	s7 =	sadd.s32 $0x0, s31  }
0x6a: {  	[tilespmem:s20], [sflag:$0x2] =	stream.indirect.gather [hbm4b:s1+s23], $0x80, s31, s23, $0xb8;
	[tilespmem:$0x1D000] =	vst v63  }
0x6b: {  	s9 =	sadd.s32 $0x80, s7  }
0x6c: {  	[tilespmem:s24], [sflag:$0x3] =	stream.indirect.gather [hbm4b:s1+s23], $0x80, s9, s23, $0xb8;
	[tilespmem:$0x1D000] =	vst v63  }
0x6d: {  	_ =	swait.ge [sflag:s25], $0x2800  }
0x6e: {  	s2 =	sor.u32 $0x2000, s31;
	[sflag:s25] =	ssyncset.done $0x0  }
0x6f: {  	s11 =	sadd.s32 $0x0, s2;
	[sflag:s25] =	ssyncadd.s32 $0xFFFFD800  }
0x70: {  	[spmem:s3] =	stream.indirect.scatter.add.f32 [tilespmem:s20], [sflag:$0x5], $0x80, s11, s23, $0xb8;
	[tilespmem:$0x1D000] =	vst v63  }
0x71: {  	_ =	swait.ge [sflag:s26], $0x2800  }
0x72: {  	[sflag:s26] =	ssyncset.done $0x0  }
0x73: {  	s0 =	sadd.s32 $0x100, s7;
	[sflag:s26] =	ssyncadd.s32 $0xFFFFD800  }
0x74: {  	[tilespmem:s20], [sflag:$0x2] =	stream.indirect.gather [hbm4b:s1+s23], $0x80, s0, s23, $0xb8;
	[tilespmem:$0x1D000] =	vst v63  }
0x75: {  	_ =	swait.ge [sflag:s28], $0x2800  }
0x76: {  	[sflag:s28] =	ssyncset.done $0x0  }
0x77: {  	s19 =	sadd.s32 $0x80, s11;
	[sflag:s28] =	ssyncadd.s32 $0xFFFFD800  }
0x78: {  	[spmem:s3] =	stream.indirect.scatter.add.f32 [tilespmem:s24], [sflag:$0x5], $0x80, s19, s23, $0xb8;
	[tilespmem:$0x1D000] =	vst v63  }
0x79: {  	s4 =	simm.s32 $0x800;
	_ =	swait.ge [sflag:s26], $0x2800  }
0x7a: {  	s0 =	sadd.s32 $0x100, s31;
	s19 =	simm.s32 $0x100;
	[sflag:s26] =	ssyncset.done $0x0  }
.LBB2_5:
0x7b: {  	s7 =	sadd.s32 $0x80, s0  }
0x7c: {  	[sflag:s26] =	ssyncadd.s32 $0xFFFFD800;
	s9 =	smov.u32 s4;
	s11 =	sadd.s32 $0x400, s4  }
0x7d: {  	[tilespmem:s24], [sflag:$0x3] =	stream.indirect.gather [hbm4b:s1+s23], $0x80, s7, s23, $0xb8;
	[tilespmem:$0x1D000] =	vst v63  }
0x7e: {  	p1 =	sne.s32 s4, $0x2C00;
	_ =	swait.ge [sflag:s25], $0x2800  }
0x7f: {  	[sflag:s25] =	ssyncset.done $0x0  }
0x80: {  	s4 =	sadd.s32 s19, s2;
	[sflag:s25] =	ssyncadd.s32 $0xFFFFD800  }
0x81: {  	[spmem:s3] =	stream.indirect.scatter.add.f32 [tilespmem:s20], [sflag:$0x5], $0x80, s4, s23, $0xb8;
	[tilespmem:$0x1D000] =	vst v63  }
0x82: {  	_ =	swait.ge [sflag:s26], $0x2800  }
0x83: {  	[sflag:s26] =	ssyncset.done $0x0  }
0x84: {  	s0 =	sadd.s32 $0x100, s0;
	[sflag:s26] =	ssyncadd.s32 $0xFFFFD800  }
0x85: {  	[tilespmem:s20], [sflag:$0x2] =	stream.indirect.gather [hbm4b:s1+s23], $0x80, s0, s23, $0xb8;
	[tilespmem:$0x1D000] =	vst v63  }
0x86: {  	_ =	swait.ge [sflag:s28], $0x2800  }
.Ltmp3:
0x87: {  	[sflag:s28] =	ssyncset.done $0x0;
	(pc) =	sbr.rel @p1 .LBB2_5-.Ltmp3, $4  }
0x88: {  	s0 =	sadd.s32 $0x80, s4;
	[sflag:s28] =	ssyncadd.s32 $0xFFFFD800  }
0x89: {  	[spmem:s3] =	stream.indirect.scatter.add.f32 [tilespmem:s24], [sflag:$0x5], $0x80, s0, s23, $0xb8;
	[tilespmem:$0x1D000] =	vst v63  }
0x8a: {  	s19 =	sshra.s32 s9, $0x2;
	_ =	swait.ge [sflag:s26], $0x2800  }
0x8b: {  	s4 =	smov.u32 s11;
	s0 =	sadd.s32 s19, s31;
	[sflag:s26] =	ssyncset.done $0x0  }
0x8c: {  	s4 =	sadd.s32 $0x80, s0;
	[sflag:s26] =	ssyncadd.s32 $0xFFFFD800  }
0x8d: {  	[tilespmem:s24], [sflag:$0x3] =	stream.indirect.gather [hbm4b:s1+s23], $0x80, s4, s23, $0xb8;
	[tilespmem:$0x1D000] =	vst v63  }
0x8e: {  	_ =	swait.ge [sflag:s25], $0x2800  }
0x8f: {  	[sflag:s25] =	ssyncset.done $0x0  }
0x90: {  	s2 =	sadd.s32 s19, s2;
	[sflag:s25] =	ssyncadd.s32 $0xFFFFD800  }
0x91: {  	[spmem:s3] =	stream.indirect.scatter.add.f32 [tilespmem:s20], [sflag:$0x5], $0x80, s2, s23, $0xb8;
	[tilespmem:$0x1D000] =	vst v63  }
0x92: {  	_ =	swait.ge [sflag:s26], $0x2800  }
0x93: {  	[sflag:s26] =	ssyncset.done $0x0  }
0x94: {  	s11 =	sadd.s32 $0x100, s0;
	[sflag:s26] =	ssyncadd.s32 $0xFFFFD800  }
0x95: {  	[tilespmem:s20], [sflag:$0x2] =	stream.indirect.gather [hbm4b:s1+s23], $0x80, s11, s23, $0xb8;
	[tilespmem:$0x1D000] =	vst v63  }
0x96: {  	_ =	swait.ge [sflag:s28], $0x2800  }
0x97: {  	[sflag:s28] =	ssyncset.done $0x0  }
0x98: {  	s19 =	sadd.s32 $0x80, s2;
	[sflag:s28] =	ssyncadd.s32 $0xFFFFD800  }
0x99: {  	[spmem:s3] =	stream.indirect.scatter.add.f32 [tilespmem:s24], [sflag:$0x5], $0x80, s19, s23, $0xb8;
	[tilespmem:$0x1D000] =	vst v63  }
0x9a: {  	_ =	swait.ge [sflag:s26], $0x2800  }
0x9b: {  	[sflag:s26] =	ssyncset.done $0x0  }
0x9c: {  	[sflag:s26] =	ssyncadd.s32 $0xFFFFD800  }
0x9d: {  	_ =	swait.ge [sflag:s25], $0x2800  }
0x9e: {  	[sflag:s25] =	ssyncset.done $0x0  }
.Ltmp4:
0x9f: {  	s31 =	sadd.s32 $0x2C00, s31;
	[sflag:s25] =	ssyncadd.s32 $0xFFFFD800;
	(pc) =	sbr.rel @p0 .LBB2_8-.Ltmp4, $4  }
0xa0: {  	[spmem:s3] =	stream.indirect.scatter.add.f32 [tilespmem:s20], [sflag:$0x5], $0x80, s31, s23, $0xb8;
	[tilespmem:$0x1D000] =	vst v63  }
0xa1: {  	_ =	swait.ge [sflag:s26], $0x2800  }
0xa2: {  	[sflag:s26] =	ssyncset.done $0x0  }
0xa3: {  	[sflag:s26] =	ssyncadd.s32 $0xFFFFD800  }
0xa4: {  	_ =	swait.ge [sflag:s22], $0xC80  }
.Ltmp5:
0xa5: {  	[sflag:s22] =	ssyncset.done $0x0;
	(pc) =	sbr.rel .LBB2_4-.Ltmp5, $4  }
0xa6: {  	[sflag:s22] =	ssyncadd.s32 $0xFFFFF380  }
0xa7: {  	_ =	swait.ge [sflag:s22], $0xC80  }
0xa8: {  	[sflag:s22] =	ssyncset.done $0x0  }
0xa9: {  	s30 =	sadd.s32 $0x1, s30;
	[sflag:s22] =	ssyncadd.s32 $0xFFFFF380  }
.LBB2_9:
0xaa: {  	_ =	sfence.sel $0x180000  }
0xab: {  	[bflag:$0x0] =	sbarrier.arrive $0xFFFF  }
0xac: {  	_ =	strace $0x90000047  }
0xad: {  	s0 =	stileid.u32;
	[bflag:$0x2] =	sbarrier.arrive $0xFFFF  }
0xae: {  	p0 =	sne.s32 s0, $0x0;
	s0 =	rddreg [dreg:$0x3]  }
0xaf: {  	s0 =	sadd.s32 @!p0 $0x100000, s0  }
0xb0: {  	[sflag:s0] =	ssyncadd.tile.s32 @!p0 $0x1;
	_ =	shalt  }
.Lfunc_end2:
_tile_overlayer_lowered:
.L_overlay_start_2:
0xb1: {  	(tag) =	ssettag $0x2  }
0xb2: {  	s0 =	rddreg [dreg:$0x0];
	s2 =	stileid.u32  }
0xb3: {  	s1 =	rddreg [dreg:$0x1];
	p0 =	sne.s32 s2, $0x0  }
0xb4: {  	s3 =	rddreg [dreg:$0x2];
	[bflag:$0x3] =	sbarrier.arrive $0xFFFF;
	s2 =	simm.s32 @!p0 $0x1C05  }
0xb5: {  	[timem:s3], [sflag:s2] =	dma.local @!p0 [hbm:s0], s1  }
0xb6: {  	s0 =	simm.s32 @!p0 $0x5  }
0xb7: {  	_ =	swait.ge @!p0 [sflag:s0], s1  }
0xb8: {  	s1 =	ssub.s32 @!p0 $0x0, s1;
	[sflag:s0] =	ssyncset.done @!p0 $0x0  }
0xb9: {  	[sflag:s0] =	ssyncadd.s32 @!p0 s1  }
0xba: {  	[bflag:$0x3] =	sbarrier.arrive $0xFFFF  }
0xbb: {  	_ =	shalt  }

</sc_bundles>
